<compile_context>
chip_gen: v7x
topology: tpu7x:2x2x1
jax: 0.10.2.dev20260603
libtpu: 0.0.44.dev20260713+nightly
codegen_flags: <defaults>
</compile_context>

<pallas_src>
import functools

import jax
import jax.numpy as jnp
from jax import lax
from jax.experimental import pallas as pl
from jax.experimental.pallas import tpu as pltpu
from jax.experimental.pallas import tpu_sc as plsc

_INFO = plsc.get_sparse_core_info()
_NC, _NS = _INFO.num_cores, _INFO.num_subcores
_NW = _NC * _NS
_L = _INFO.num_lanes

_BLK = 512


@functools.partial(jax.jit, static_argnames=("n_rows", "n_types"))
def _sc_onehot(idx_flat, *, n_rows, n_types):
    b_per_w = n_rows // _NW
    n_groups = b_per_w // _L
    mesh = plsc.VectorSubcoreMesh(core_axis_name="c", subcore_axis_name="s")

    @functools.partial(
        pl.kernel,
        out_type=jax.ShapeDtypeStruct((n_types, n_rows), jnp.float32),
        mesh=mesh,
        scratch_types=[
            pltpu.VMEM((b_per_w,), jnp.int32),
            pltpu.VMEM((n_types, b_per_w), jnp.float32),
            pltpu.SemaphoreType.DMA,
        ],
    )
    def run(idx_hbm, oh_hbm, idx_v, oh_v, osem):
        wid = lax.axis_index("s") * _NC + lax.axis_index("c")
        base = wid * b_per_w
        pltpu.sync_copy(idx_hbm.at[pl.ds(base, b_per_w)], idx_v)

        @pl.loop(0, n_groups)
        def _grp(g):
            tvec = idx_v[pl.ds(g * _L, _L)]
            for r in range(n_types):
                oh_v[r, pl.ds(g * _L, _L)] = jnp.where(
                    tvec == r, jnp.float32(1.0), jnp.float32(0.0))

        for r in range(n_types):
            pltpu.async_copy(
                oh_v.at[r], oh_hbm.at[r, pl.ds(base, b_per_w)], osem)
        for r in range(n_types):
            pltpu.make_async_copy(
                oh_v.at[r], oh_hbm.at[r, pl.ds(base, b_per_w)], osem).wait()

    return run(idx_flat)


@functools.partial(jax.jit, static_argnames=("n_rows", "d_model", "n_types"))
def _tc_expand(ohT, w3, *, n_rows, d_model, n_types):
    grid = n_rows // _BLK

    def body(oh_ref, w3_ref, o_ref):
        ohb = oh_ref[...].astype(jnp.bfloat16)
        oh3 = jnp.concatenate([ohb, ohb, ohb], axis=0)
        o_ref[...] = lax.dot_general(
            oh3, w3_ref[...], (((0,), (0,)), ((), ())),
            preferred_element_type=jnp.float32)

    return pl.pallas_call(
        body,
        grid=(grid,),
        in_specs=[
            pl.BlockSpec((n_types, _BLK), lambda i: (0, i)),
            pl.BlockSpec((3 * n_types, d_model), lambda i: (0, 0)),
        ],
        out_specs=pl.BlockSpec((_BLK, d_model), lambda i: (i, 0)),
        out_shape=jax.ShapeDtypeStruct((n_rows, d_model), jnp.float32),
    )(ohT, w3)


def kernel(token_types, weight):
    n_rows = token_types.size
    n_types, d_model = weight.shape
    idx_flat = token_types.reshape(-1).astype(jnp.int32)
    h = weight.astype(jnp.bfloat16)
    r1 = weight - h.astype(jnp.float32)
    m = r1.astype(jnp.bfloat16)
    l = (r1 - m.astype(jnp.float32)).astype(jnp.bfloat16)
    w3 = jnp.concatenate([h, m, l], axis=0)
    ohT = _sc_onehot(idx_flat, n_rows=n_rows, n_types=n_types)
    out = _tc_expand(ohT, w3, n_rows=n_rows, d_model=d_model,
                     n_types=n_types)
    return out.reshape(token_types.shape + (d_model,))

# --- scband reference (transcript-rebuilt; emitter-appended) ---
"""Pipeline reference for scband-token-type-embedding-13176959664475 (READ-ONLY COPY).

The authoritative reference and input builder live on the scoring server;
editing this copy changes nothing except your own understanding.
"""

import jax, jax.numpy as jnp
import numpy as np

NUM_TYPES = 16
D_MODEL = 1024

def setup_inputs(seed: int = 0) -> dict:
    key = jax.random.key(seed)
    k_idx, k_w = jax.random.split(key)
    token_types = jax.random.randint(k_idx, (4, 8192), 0, NUM_TYPES, dtype=jnp.int64 if jax.config.jax_enable_x64 else jnp.int32)
    weight = jax.random.normal(k_w, (NUM_TYPES, D_MODEL), dtype=jnp.float32) * 0.02
    return {"token_types": token_types, "weight": weight}

def reference(token_types, weight):
    # nn.Embedding lookup: gather rows of the embedding table
    return jnp.take(weight, token_types, axis=0)

if __name__ == "__main__":
    import jax
    _d = setup_inputs()
    print(jax.jit(kernel)(*tuple(_d.values())))

</pallas_src>

<mosaic_0001>
#map = affine_map<(d0, d1) -> (0)>
#map1 = affine_map<(d0, d1) -> (0, 0)>
module attributes {stable_mosaic.version = 14 : i64} {
  func.func @run(%arg0: i32, %arg1: i32, %arg2: memref<32768xi32, #tpu.memory_space<hbm>>, %arg3: memref<16x32768xf32, #tpu.memory_space<hbm>>, %arg4: memref<1024xi32, #tpu.memory_space<vmem>>, %arg5: memref<16x1024xf32, #tpu.memory_space<vmem>>, %arg6: memref<!tpu.dma_semaphore, #tpu.memory_space<semaphore_mem>>) attributes {dimension_semantics = [#tpu.dimension_semantics<core_parallel>, #tpu.dimension_semantics<subcore_parallel>], iteration_bounds = array<i64: 2, 16>, scalar_prefetch = 0 : i64, scratch_operands = 3 : i64, tpu.core_type = #tpu.core_type<sc_vector_subcore>, window_params = [{transform_indices = #map}, {transform_indices = #map1}]} {
    %mul3A = arith.constant 2 : i32
    %mul3A_0 = arith.muli %arg1, %mul3A : i32
    %add3A = arith.addi %mul3A_0, %arg0 : i32
    %mul3A_1 = arith.constant 1024 : i32
    %mul3A_2 = arith.muli %add3A, %mul3A_1 : i32
    "tpu.region"() ({
      %run_scoped3A = tpu.sem_alloc : memref<!tpu.dma_semaphore, #tpu.memory_space<semaphore_mem>>
      %dma_start3A_389 = tpu.memref_slice %arg2[%mul3A_2] : memref<32768xi32, #tpu.memory_space<hbm>> -> memref<1024xi32, #tpu.memory_space<hbm>>
      %dma_start3A_390 = tpu.memref_slice %arg2[%mul3A_2] : memref<32768xi32, #tpu.memory_space<hbm>> -> memref<1024xi32, #tpu.memory_space<hbm>>
      tpu.enqueue_dma source(%dma_start3A_390 : memref<1024xi32, #tpu.memory_space<hbm>>) target(%arg4 : memref<1024xi32, #tpu.memory_space<vmem>>) target_semaphore(%run_scoped3A : memref<!tpu.dma_semaphore, #tpu.memory_space<semaphore_mem>>)
      %dma_wait3A_391 = tpu.memref_slice %arg2[%mul3A_2] : memref<32768xi32, #tpu.memory_space<hbm>> -> memref<1024xi32, #tpu.memory_space<hbm>>
      %dma_wait3A_392 = tpu.memref_slice %arg2[%mul3A_2] : memref<32768xi32, #tpu.memory_space<hbm>> -> memref<1024xi32, #tpu.memory_space<hbm>>
      tpu.wait_dma2 semaphore(%run_scoped3A : memref<!tpu.dma_semaphore, #tpu.memory_space<semaphore_mem>>) src(%dma_wait3A_392 : memref<1024xi32, #tpu.memory_space<hbm>>) dst(%arg4 : memref<1024xi32, #tpu.memory_space<vmem>>)
      tpu.yield
    }) : () -> ()
    %scan3A = arith.constant 0 : i32
    %scan3A_3 = arith.constant 64 : i32
    %scan3A_4 = arith.addi %scan3A, %scan3A_3 : i32
    %scan3A_5 = arith.constant 1 : i32
    scf.for %scan3A_389 = %scan3A to %scan3A_4 step %scan3A_5  : i32 {
      %mul3A_390 = arith.constant 1 : i32
      %mul3A_391 = arith.muli %scan3A_389, %mul3A_390 : i32
      %add3A_392 = arith.constant 0 : i32
      %add3A_393 = arith.addi %add3A_392, %mul3A_391 : i32
      %mul3A_394 = arith.constant 16 : i32
      %mul3A_395 = arith.muli %add3A_393, %mul3A_394 : i32
      %get3A = arith.index_cast %mul3A_395 : i32 to index
      %get3A_396 = tpu.vector_load %arg4[%get3A] {strides = array<i32>} : memref<1024xi32, #tpu.memory_space<vmem>>, vector<16xi32>,
      %get3A_397 = vector.shape_cast %get3A_396 : vector<16xi32> to vector<16xi32>
      %eq3A = arith.constant 0 : i32
      %eq3A_398 = vector.broadcast %eq3A : i32 to vector<16xi32>
      %eq3A_399 = arith.cmpi eq, %get3A_397, %eq3A_398 : vector<16xi32>
      %jit3A = arith.constant 1.000000e+00 : f32
      %jit3A_400 = arith.constant 0.000000e+00 : f32
      %broadcast_in_dim3A = vector.broadcast %jit3A : f32 to vector<16xf32>
      %broadcast_in_dim3A_401 = vector.broadcast %jit3A_400 : f32 to vector<16xf32>
      %select_n3A = arith.select %eq3A_399, %broadcast_in_dim3A, %broadcast_in_dim3A_401 : vector<16xi1>, vector<16xf32>
      %mul3A_402 = arith.constant 16 : i32
      %mul3A_403 = arith.muli %add3A_393, %mul3A_402 : i32
      %swap3A = arith.constant 0 : i32
      %swap3A_404 = arith.index_cast %swap3A : i32 to index
      %swap3A_405 = arith.index_cast %mul3A_403 : i32 to index
      %swap3A_406 = tpu.vector_load %arg5[%swap3A_404, %swap3A_405] {strides = array<i32>} : memref<16x1024xf32, #tpu.memory_space<vmem>>, vector<1x16xf32>,
      %swap3A_407 = vector.shape_cast %swap3A_406 : vector<1x16xf32> to vector<16xf32>
      %swap3A_408 = vector.shape_cast %select_n3A : vector<16xf32> to vector<1x16xf32>
      tpu.vector_store %arg5[%swap3A_404, %swap3A_405], %swap3A_408 {strides = array<i32>} : memref<16x1024xf32, #tpu.memory_space<vmem>>, vector<1x16xf32>,
      %eq3A_409 = arith.constant 1 : i32
      %eq3A_410 = vector.broadcast %eq3A_409 : i32 to vector<16xi32>
      %eq3A_411 = arith.cmpi eq, %get3A_397, %eq3A_410 : vector<16xi32>
      %jit3A_412 = arith.constant 1.000000e+00 : f32
      %jit3A_413 = arith.constant 0.000000e+00 : f32
      %broadcast_in_dim3A_414 = vector.broadcast %jit3A_412 : f32 to vector<16xf32>
      %broadcast_in_dim3A_415 = vector.broadcast %jit3A_413 : f32 to vector<16xf32>
      %select_n3A_416 = arith.select %eq3A_411, %broadcast_in_dim3A_414, %broadcast_in_dim3A_415 : vector<16xi1>, vector<16xf32>
      %mul3A_417 = arith.constant 16 : i32
      %mul3A_418 = arith.muli %add3A_393, %mul3A_417 : i32
      %swap3A_419 = arith.constant 1 : i32
      %swap3A_420 = arith.index_cast %swap3A_419 : i32 to index
      %swap3A_421 = arith.index_cast %mul3A_418 : i32 to index
      %swap3A_422 = tpu.vector_load %arg5[%swap3A_420, %swap3A_421] {strides = array<i32>} : memref<16x1024xf32, #tpu.memory_space<vmem>>, vector<1x16xf32>,
      %swap3A_423 = vector.shape_cast %swap3A_422 : vector<1x16xf32> to vector<16xf32>
      %swap3A_424 = vector.shape_cast %select_n3A_416 : vector<16xf32> to vector<1x16xf32>
      tpu.vector_store %arg5[%swap3A_420, %swap3A_421], %swap3A_424 {strides = array<i32>} : memref<16x1024xf32, #tpu.memory_space<vmem>>, vector<1x16xf32>,
      %eq3A_425 = arith.constant 2 : i32
      %eq3A_426 = vector.broadcast %eq3A_425 : i32 to vector<16xi32>
      %eq3A_427 = arith.cmpi eq, %get3A_397, %eq3A_426 : vector<16xi32>
      %jit3A_428 = arith.constant 1.000000e+00 : f32
      %jit3A_429 = arith.constant 0.000000e+00 : f32
      %broadcast_in_dim3A_430 = vector.broadcast %jit3A_428 : f32 to vector<16xf32>
      %broadcast_in_dim3A_431 = vector.broadcast %jit3A_429 : f32 to vector<16xf32>
      %select_n3A_432 = arith.select %eq3A_427, %broadcast_in_dim3A_430, %broadcast_in_dim3A_431 : vector<16xi1>, vector<16xf32>
      %mul3A_433 = arith.constant 16 : i32
      %mul3A_434 = arith.muli %add3A_393, %mul3A_433 : i32
      %swap3A_435 = arith.constant 2 : i32
      %swap3A_436 = arith.index_cast %swap3A_435 : i32 to index
      %swap3A_437 = arith.index_cast %mul3A_434 : i32 to index
      %swap3A_438 = tpu.vector_load %arg5[%swap3A_436, %swap3A_437] {strides = array<i32>} : memref<16x1024xf32, #tpu.memory_space<vmem>>, vector<1x16xf32>,
      %swap3A_439 = vector.shape_cast %swap3A_438 : vector<1x16xf32> to vector<16xf32>
      %swap3A_440 = vector.shape_cast %select_n3A_432 : vector<16xf32> to vector<1x16xf32>
      tpu.vector_store %arg5[%swap3A_436, %swap3A_437], %swap3A_440 {strides = array<i32>} : memref<16x1024xf32, #tpu.memory_space<vmem>>, vector<1x16xf32>,
      %eq3A_441 = arith.constant 3 : i32
      %eq3A_442 = vector.broadcast %eq3A_441 : i32 to vector<16xi32>
      %eq3A_443 = arith.cmpi eq, %get3A_397, %eq3A_442 : vector<16xi32>
      %jit3A_444 = arith.constant 1.000000e+00 : f32
      %jit3A_445 = arith.constant 0.000000e+00 : f32
      %broadcast_in_dim3A_446 = vector.broadcast %jit3A_444 : f32 to vector<16xf32>
      %broadcast_in_dim3A_447 = vector.broadcast %jit3A_445 : f32 to vector<16xf32>
      %select_n3A_448 = arith.select %eq3A_443, %broadcast_in_dim3A_446, %broadcast_in_dim3A_447 : vector<16xi1>, vector<16xf32>
      %mul3A_449 = arith.constant 16 : i32
      %mul3A_450 = arith.muli %add3A_393, %mul3A_449 : i32
      %swap3A_451 = arith.constant 3 : i32
      %swap3A_452 = arith.index_cast %swap3A_451 : i32 to index
      %swap3A_453 = arith.index_cast %mul3A_450 : i32 to index
      %swap3A_454 = tpu.vector_load %arg5[%swap3A_452, %swap3A_453] {strides = array<i32>} : memref<16x1024xf32, #tpu.memory_space<vmem>>, vector<1x16xf32>,
      %swap3A_455 = vector.shape_cast %swap3A_454 : vector<1x16xf32> to vector<16xf32>
      %swap3A_456 = vector.shape_cast %select_n3A_448 : vector<16xf32> to vector<1x16xf32>
      tpu.vector_store %arg5[%swap3A_452, %swap3A_453], %swap3A_456 {strides = array<i32>} : memref<16x1024xf32, #tpu.memory_space<vmem>>, vector<1x16xf32>,
      %eq3A_457 = arith.constant 4 : i32
      %eq3A_458 = vector.broadcast %eq3A_457 : i32 to vector<16xi32>
      %eq3A_459 = arith.cmpi eq, %get3A_397, %eq3A_458 : vector<16xi32>
      %jit3A_460 = arith.constant 1.000000e+00 : f32
      %jit3A_461 = arith.constant 0.000000e+00 : f32
      %broadcast_in_dim3A_462 = vector.broadcast %jit3A_460 : f32 to vector<16xf32>
      %broadcast_in_dim3A_463 = vector.broadcast %jit3A_461 : f32 to vector<16xf32>
      %select_n3A_464 = arith.select %eq3A_459, %broadcast_in_dim3A_462, %broadcast_in_dim3A_463 : vector<16xi1>, vector<16xf32>
      %mul3A_465 = arith.constant 16 : i32
      %mul3A_466 = arith.muli %add3A_393, %mul3A_465 : i32
      %swap3A_467 = arith.constant 4 : i32
      %swap3A_468 = arith.index_cast %swap3A_467 : i32 to index
      %swap3A_469 = arith.index_cast %mul3A_466 : i32 to index
      %swap3A_470 = tpu.vector_load %arg5[%swap3A_468, %swap3A_469] {strides = array<i32>} : memref<16x1024xf32, #tpu.memory_space<vmem>>, vector<1x16xf32>,
      %swap3A_471 = vector.shape_cast %swap3A_470 : vector<1x16xf32> to vector<16xf32>
      %swap3A_472 = vector.shape_cast %select_n3A_464 : vector<16xf32> to vector<1x16xf32>
      tpu.vector_store %arg5[%swap3A_468, %swap3A_469], %swap3A_472 {strides = array<i32>} : memref<16x1024xf32, #tpu.memory_space<vmem>>, vector<1x16xf32>,
      %eq3A_473 = arith.constant 5 : i32
      %eq3A_474 = vector.broadcast %eq3A_473 : i32 to vector<16xi32>
      %eq3A_475 = arith.cmpi eq, %get3A_397, %eq3A_474 : vector<16xi32>
      %jit3A_476 = arith.constant 1.000000e+00 : f32
      %jit3A_477 = arith.constant 0.000000e+00 : f32
      %broadcast_in_dim3A_478 = vector.broadcast %jit3A_476 : f32 to vector<16xf32>
      %broadcast_in_dim3A_479 = vector.broadcast %jit3A_477 : f32 to vector<16xf32>
      %select_n3A_480 = arith.select %eq3A_475, %broadcast_in_dim3A_478, %broadcast_in_dim3A_479 : vector<16xi1>, vector<16xf32>
      %mul3A_481 = arith.constant 16 : i32
      %mul3A_482 = arith.muli %add3A_393, %mul3A_481 : i32
      %swap3A_483 = arith.constant 5 : i32
      %swap3A_484 = arith.index_cast %swap3A_483 : i32 to index
      %swap3A_485 = arith.index_cast %mul3A_482 : i32 to index
      %swap3A_486 = tpu.vector_load %arg5[%swap3A_484, %swap3A_485] {strides = array<i32>} : memref<16x1024xf32, #tpu.memory_space<vmem>>, vector<1x16xf32>,
      %swap3A_487 = vector.shape_cast %swap3A_486 : vector<1x16xf32> to vector<16xf32>
      %swap3A_488 = vector.shape_cast %select_n3A_480 : vector<16xf32> to vector<1x16xf32>
      tpu.vector_store %arg5[%swap3A_484, %swap3A_485], %swap3A_488 {strides = array<i32>} : memref<16x1024xf32, #tpu.memory_space<vmem>>, vector<1x16xf32>,
      %eq3A_489 = arith.constant 6 : i32
      %eq3A_490 = vector.broadcast %eq3A_489 : i32 to vector<16xi32>
      %eq3A_491 = arith.cmpi eq, %get3A_397, %eq3A_490 : vector<16xi32>
      %jit3A_492 = arith.constant 1.000000e+00 : f32
      %jit3A_493 = arith.constant 0.000000e+00 : f32
      %broadcast_in_dim3A_494 = vector.broadcast %jit3A_492 : f32 to vector<16xf32>
      %broadcast_in_dim3A_495 = vector.broadcast %jit3A_493 : f32 to vector<16xf32>
      %select_n3A_496 = arith.select %eq3A_491, %broadcast_in_dim3A_494, %broadcast_in_dim3A_495 : vector<16xi1>, vector<16xf32>
      %mul3A_497 = arith.constant 16 : i32
      %mul3A_498 = arith.muli %add3A_393, %mul3A_497 : i32
      %swap3A_499 = arith.constant 6 : i32
      %swap3A_500 = arith.index_cast %swap3A_499 : i32 to index
      %swap3A_501 = arith.index_cast %mul3A_498 : i32 to index
      %swap3A_502 = tpu.vector_load %arg5[%swap3A_500, %swap3A_501] {strides = array<i32>} : memref<16x1024xf32, #tpu.memory_space<vmem>>, vector<1x16xf32>,
      %swap3A_503 = vector.shape_cast %swap3A_502 : vector<1x16xf32> to vector<16xf32>
      %swap3A_504 = vector.shape_cast %select_n3A_496 : vector<16xf32> to vector<1x16xf32>
      tpu.vector_store %arg5[%swap3A_500, %swap3A_501], %swap3A_504 {strides = array<i32>} : memref<16x1024xf32, #tpu.memory_space<vmem>>, vector<1x16xf32>,
      %eq3A_505 = arith.constant 7 : i32
      %eq3A_506 = vector.broadcast %eq3A_505 : i32 to vector<16xi32>
      %eq3A_507 = arith.cmpi eq, %get3A_397, %eq3A_506 : vector<16xi32>
      %jit3A_508 = arith.constant 1.000000e+00 : f32
      %jit3A_509 = arith.constant 0.000000e+00 : f32
      %broadcast_in_dim3A_510 = vector.broadcast %jit3A_508 : f32 to vector<16xf32>
      %broadcast_in_dim3A_511 = vector.broadcast %jit3A_509 : f32 to vector<16xf32>
      %select_n3A_512 = arith.select %eq3A_507, %broadcast_in_dim3A_510, %broadcast_in_dim3A_511 : vector<16xi1>, vector<16xf32>
      %mul3A_513 = arith.constant 16 : i32
      %mul3A_514 = arith.muli %add3A_393, %mul3A_513 : i32
      %swap3A_515 = arith.constant 7 : i32
      %swap3A_516 = arith.index_cast %swap3A_515 : i32 to index
      %swap3A_517 = arith.index_cast %mul3A_514 : i32 to index
      %swap3A_518 = tpu.vector_load %arg5[%swap3A_516, %swap3A_517] {strides = array<i32>} : memref<16x1024xf32, #tpu.memory_space<vmem>>, vector<1x16xf32>,
      %swap3A_519 = vector.shape_cast %swap3A_518 : vector<1x16xf32> to vector<16xf32>
      %swap3A_520 = vector.shape_cast %select_n3A_512 : vector<16xf32> to vector<1x16xf32>
      tpu.vector_store %arg5[%swap3A_516, %swap3A_517], %swap3A_520 {strides = array<i32>} : memref<16x1024xf32, #tpu.memory_space<vmem>>, vector<1x16xf32>,
      %eq3A_521 = arith.constant 8 : i32
      %eq3A_522 = vector.broadcast %eq3A_521 : i32 to vector<16xi32>
      %eq3A_523 = arith.cmpi eq, %get3A_397, %eq3A_522 : vector<16xi32>
      %jit3A_524 = arith.constant 1.000000e+00 : f32
      %jit3A_525 = arith.constant 0.000000e+00 : f32
      %broadcast_in_dim3A_526 = vector.broadcast %jit3A_524 : f32 to vector<16xf32>
      %broadcast_in_dim3A_527 = vector.broadcast %jit3A_525 : f32 to vector<16xf32>
      %select_n3A_528 = arith.select %eq3A_523, %broadcast_in_dim3A_526, %broadcast_in_dim3A_527 : vector<16xi1>, vector<16xf32>
      %mul3A_529 = arith.constant 16 : i32
      %mul3A_530 = arith.muli %add3A_393, %mul3A_529 : i32
      %swap3A_531 = arith.constant 8 : i32
      %swap3A_532 = arith.index_cast %swap3A_531 : i32 to index
      %swap3A_533 = arith.index_cast %mul3A_530 : i32 to index
      %swap3A_534 = tpu.vector_load %arg5[%swap3A_532, %swap3A_533] {strides = array<i32>} : memref<16x1024xf32, #tpu.memory_space<vmem>>, vector<1x16xf32>,
      %swap3A_535 = vector.shape_cast %swap3A_534 : vector<1x16xf32> to vector<16xf32>
      %swap3A_536 = vector.shape_cast %select_n3A_528 : vector<16xf32> to vector<1x16xf32>
      tpu.vector_store %arg5[%swap3A_532, %swap3A_533], %swap3A_536 {strides = array<i32>} : memref<16x1024xf32, #tpu.memory_space<vmem>>, vector<1x16xf32>,
      %eq3A_537 = arith.constant 9 : i32
      %eq3A_538 = vector.broadcast %eq3A_537 : i32 to vector<16xi32>
      %eq3A_539 = arith.cmpi eq, %get3A_397, %eq3A_538 : vector<16xi32>
      %jit3A_540 = arith.constant 1.000000e+00 : f32
      %jit3A_541 = arith.constant 0.000000e+00 : f32
      %broadcast_in_dim3A_542 = vector.broadcast %jit3A_540 : f32 to vector<16xf32>
      %broadcast_in_dim3A_543 = vector.broadcast %jit3A_541 : f32 to vector<16xf32>
      %select_n3A_544 = arith.select %eq3A_539, %broadcast_in_dim3A_542, %broadcast_in_dim3A_543 : vector<16xi1>, vector<16xf32>
      %mul3A_545 = arith.constant 16 : i32
      %mul3A_546 = arith.muli %add3A_393, %mul3A_545 : i32
      %swap3A_547 = arith.constant 9 : i32
      %swap3A_548 = arith.index_cast %swap3A_547 : i32 to index
      %swap3A_549 = arith.index_cast %mul3A_546 : i32 to index
      %swap3A_550 = tpu.vector_load %arg5[%swap3A_548, %swap3A_549] {strides = array<i32>} : memref<16x1024xf32, #tpu.memory_space<vmem>>, vector<1x16xf32>,
      %swap3A_551 = vector.shape_cast %swap3A_550 : vector<1x16xf32> to vector<16xf32>
      %swap3A_552 = vector.shape_cast %select_n3A_544 : vector<16xf32> to vector<1x16xf32>
      tpu.vector_store %arg5[%swap3A_548, %swap3A_549], %swap3A_552 {strides = array<i32>} : memref<16x1024xf32, #tpu.memory_space<vmem>>, vector<1x16xf32>,
      %eq3A_553 = arith.constant 10 : i32
      %eq3A_554 = vector.broadcast %eq3A_553 : i32 to vector<16xi32>
      %eq3A_555 = arith.cmpi eq, %get3A_397, %eq3A_554 : vector<16xi32>
      %jit3A_556 = arith.constant 1.000000e+00 : f32
      %jit3A_557 = arith.constant 0.000000e+00 : f32
      %broadcast_in_dim3A_558 = vector.broadcast %jit3A_556 : f32 to vector<16xf32>
      %broadcast_in_dim3A_559 = vector.broadcast %jit3A_557 : f32 to vector<16xf32>
      %select_n3A_560 = arith.select %eq3A_555, %broadcast_in_dim3A_558, %broadcast_in_dim3A_559 : vector<16xi1>, vector<16xf32>
      %mul3A_561 = arith.constant 16 : i32
      %mul3A_562 = arith.muli %add3A_393, %mul3A_561 : i32
      %swap3A_563 = arith.constant 10 : i32
      %swap3A_564 = arith.index_cast %swap3A_563 : i32 to index
      %swap3A_565 = arith.index_cast %mul3A_562 : i32 to index
      %swap3A_566 = tpu.vector_load %arg5[%swap3A_564, %swap3A_565] {strides = array<i32>} : memref<16x1024xf32, #tpu.memory_space<vmem>>, vector<1x16xf32>,
      %swap3A_567 = vector.shape_cast %swap3A_566 : vector<1x16xf32> to vector<16xf32>
      %swap3A_568 = vector.shape_cast %select_n3A_560 : vector<16xf32> to vector<1x16xf32>
      tpu.vector_store %arg5[%swap3A_564, %swap3A_565], %swap3A_568 {strides = array<i32>} : memref<16x1024xf32, #tpu.memory_space<vmem>>, vector<1x16xf32>,
      %eq3A_569 = arith.constant 11 : i32
      %eq3A_570 = vector.broadcast %eq3A_569 : i32 to vector<16xi32>
      %eq3A_571 = arith.cmpi eq, %get3A_397, %eq3A_570 : vector<16xi32>
      %jit3A_572 = arith.constant 1.000000e+00 : f32
      %jit3A_573 = arith.constant 0.000000e+00 : f32
      %broadcast_in_dim3A_574 = vector.broadcast %jit3A_572 : f32 to vector<16xf32>
      %broadcast_in_dim3A_575 = vector.broadcast %jit3A_573 : f32 to vector<16xf32>
      %select_n3A_576 = arith.select %eq3A_571, %broadcast_in_dim3A_574, %broadcast_in_dim3A_575 : vector<16xi1>, vector<16xf32>
      %mul3A_577 = arith.constant 16 : i32
      %mul3A_578 = arith.muli %add3A_393, %mul3A_577 : i32
      %swap3A_579 = arith.constant 11 : i32
      %swap3A_580 = arith.index_cast %swap3A_579 : i32 to index
      %swap3A_581 = arith.index_cast %mul3A_578 : i32 to index
      %swap3A_582 = tpu.vector_load %arg5[%swap3A_580, %swap3A_581] {strides = array<i32>} : memref<16x1024xf32, #tpu.memory_space<vmem>>, vector<1x16xf32>,
      %swap3A_583 = vector.shape_cast %swap3A_582 : vector<1x16xf32> to vector<16xf32>
      %swap3A_584 = vector.shape_cast %select_n3A_576 : vector<16xf32> to vector<1x16xf32>
      tpu.vector_store %arg5[%swap3A_580, %swap3A_581], %swap3A_584 {strides = array<i32>} : memref<16x1024xf32, #tpu.memory_space<vmem>>, vector<1x16xf32>,
      %eq3A_585 = arith.constant 12 : i32
      %eq3A_586 = vector.broadcast %eq3A_585 : i32 to vector<16xi32>
      %eq3A_587 = arith.cmpi eq, %get3A_397, %eq3A_586 : vector<16xi32>
      %jit3A_588 = arith.constant 1.000000e+00 : f32
      %jit3A_589 = arith.constant 0.000000e+00 : f32
      %broadcast_in_dim3A_590 = vector.broadcast %jit3A_588 : f32 to vector<16xf32>
      %broadcast_in_dim3A_591 = vector.broadcast %jit3A_589 : f32 to vector<16xf32>
      %select_n3A_592 = arith.select %eq3A_587, %broadcast_in_dim3A_590, %broadcast_in_dim3A_591 : vector<16xi1>, vector<16xf32>
      %mul3A_593 = arith.constant 16 : i32
      %mul3A_594 = arith.muli %add3A_393, %mul3A_593 : i32
      %swap3A_595 = arith.constant 12 : i32
      %swap3A_596 = arith.index_cast %swap3A_595 : i32 to index
      %swap3A_597 = arith.index_cast %mul3A_594 : i32 to index
      %swap3A_598 = tpu.vector_load %arg5[%swap3A_596, %swap3A_597] {strides = array<i32>} : memref<16x1024xf32, #tpu.memory_space<vmem>>, vector<1x16xf32>,
      %swap3A_599 = vector.shape_cast %swap3A_598 : vector<1x16xf32> to vector<16xf32>
      %swap3A_600 = vector.shape_cast %select_n3A_592 : vector<16xf32> to vector<1x16xf32>
      tpu.vector_store %arg5[%swap3A_596, %swap3A_597], %swap3A_600 {strides = array<i32>} : memref<16x1024xf32, #tpu.memory_space<vmem>>, vector<1x16xf32>,
      %eq3A_601 = arith.constant 13 : i32
      %eq3A_602 = vector.broadcast %eq3A_601 : i32 to vector<16xi32>
      %eq3A_603 = arith.cmpi eq, %get3A_397, %eq3A_602 : vector<16xi32>
      %jit3A_604 = arith.constant 1.000000e+00 : f32
      %jit3A_605 = arith.constant 0.000000e+00 : f32
      %broadcast_in_dim3A_606 = vector.broadcast %jit3A_604 : f32 to vector<16xf32>
      %broadcast_in_dim3A_607 = vector.broadcast %jit3A_605 : f32 to vector<16xf32>
      %select_n3A_608 = arith.select %eq3A_603, %broadcast_in_dim3A_606, %broadcast_in_dim3A_607 : vector<16xi1>, vector<16xf32>
      %mul3A_609 = arith.constant 16 : i32
      %mul3A_610 = arith.muli %add3A_393, %mul3A_609 : i32
      %swap3A_611 = arith.constant 13 : i32
      %swap3A_612 = arith.index_cast %swap3A_611 : i32 to index
      %swap3A_613 = arith.index_cast %mul3A_610 : i32 to index
      %swap3A_614 = tpu.vector_load %arg5[%swap3A_612, %swap3A_613] {strides = array<i32>} : memref<16x1024xf32, #tpu.memory_space<vmem>>, vector<1x16xf32>,
      %swap3A_615 = vector.shape_cast %swap3A_614 : vector<1x16xf32> to vector<16xf32>
      %swap3A_616 = vector.shape_cast %select_n3A_608 : vector<16xf32> to vector<1x16xf32>
      tpu.vector_store %arg5[%swap3A_612, %swap3A_613], %swap3A_616 {strides = array<i32>} : memref<16x1024xf32, #tpu.memory_space<vmem>>, vector<1x16xf32>,
      %eq3A_617 = arith.constant 14 : i32
      %eq3A_618 = vector.broadcast %eq3A_617 : i32 to vector<16xi32>
      %eq3A_619 = arith.cmpi eq, %get3A_397, %eq3A_618 : vector<16xi32>
      %jit3A_620 = arith.constant 1.000000e+00 : f32
      %jit3A_621 = arith.constant 0.000000e+00 : f32
      %broadcast_in_dim3A_622 = vector.broadcast %jit3A_620 : f32 to vector<16xf32>
      %broadcast_in_dim3A_623 = vector.broadcast %jit3A_621 : f32 to vector<16xf32>
      %select_n3A_624 = arith.select %eq3A_619, %broadcast_in_dim3A_622, %broadcast_in_dim3A_623 : vector<16xi1>, vector<16xf32>
      %mul3A_625 = arith.constant 16 : i32
      %mul3A_626 = arith.muli %add3A_393, %mul3A_625 : i32
      %swap3A_627 = arith.constant 14 : i32
      %swap3A_628 = arith.index_cast %swap3A_627 : i32 to index
      %swap3A_629 = arith.index_cast %mul3A_626 : i32 to index
      %swap3A_630 = tpu.vector_load %arg5[%swap3A_628, %swap3A_629] {strides = array<i32>} : memref<16x1024xf32, #tpu.memory_space<vmem>>, vector<1x16xf32>,
      %swap3A_631 = vector.shape_cast %swap3A_630 : vector<1x16xf32> to vector<16xf32>
      %swap3A_632 = vector.shape_cast %select_n3A_624 : vector<16xf32> to vector<1x16xf32>
      tpu.vector_store %arg5[%swap3A_628, %swap3A_629], %swap3A_632 {strides = array<i32>} : memref<16x1024xf32, #tpu.memory_space<vmem>>, vector<1x16xf32>,
      %eq3A_633 = arith.constant 15 : i32
      %eq3A_634 = vector.broadcast %eq3A_633 : i32 to vector<16xi32>
      %eq3A_635 = arith.cmpi eq, %get3A_397, %eq3A_634 : vector<16xi32>
      %jit3A_636 = arith.constant 1.000000e+00 : f32
      %jit3A_637 = arith.constant 0.000000e+00 : f32
      %broadcast_in_dim3A_638 = vector.broadcast %jit3A_636 : f32 to vector<16xf32>
      %broadcast_in_dim3A_639 = vector.broadcast %jit3A_637 : f32 to vector<16xf32>
      %select_n3A_640 = arith.select %eq3A_635, %broadcast_in_dim3A_638, %broadcast_in_dim3A_639 : vector<16xi1>, vector<16xf32>
      %mul3A_641 = arith.constant 16 : i32
      %mul3A_642 = arith.muli %add3A_393, %mul3A_641 : i32
      %swap3A_643 = arith.constant 15 : i32
      %swap3A_644 = arith.index_cast %swap3A_643 : i32 to index
      %swap3A_645 = arith.index_cast %mul3A_642 : i32 to index
      %swap3A_646 = tpu.vector_load %arg5[%swap3A_644, %swap3A_645] {strides = array<i32>} : memref<16x1024xf32, #tpu.memory_space<vmem>>, vector<1x16xf32>,
      %swap3A_647 = vector.shape_cast %swap3A_646 : vector<1x16xf32> to vector<16xf32>
      %swap3A_648 = vector.shape_cast %select_n3A_640 : vector<16xf32> to vector<1x16xf32>
      tpu.vector_store %arg5[%swap3A_644, %swap3A_645], %swap3A_648 {strides = array<i32>} : memref<16x1024xf32, #tpu.memory_space<vmem>>, vector<1x16xf32>,
    }
    %scan3A_6 = arith.constant 64 : i32
    %dma_start3A = arith.constant 0 : i32
    %dma_start3A_7 = arith.constant 0 : i32
    %dma_start3A_8 = arith.constant 0 : i32
    %dma_start3A_9 = tpu.memref_slice %arg5[%dma_start3A, %dma_start3A_8] : memref<16x1024xf32, #tpu.memory_space<vmem>> -> memref<1x1024xf32, #tpu.memory_space<vmem>>
    %dma_start3A_10 = tpu.memref_squeeze %dma_start3A_9 : memref<1x1024xf32, #tpu.memory_space<vmem>> -> memref<1024xf32, #tpu.memory_space<vmem>>
    %dma_start3A_11 = tpu.memref_slice %arg3[%dma_start3A_7, %mul3A_2] : memref<16x32768xf32, #tpu.memory_space<hbm>> -> memref<1x1024xf32, #tpu.memory_space<hbm>>
    %dma_start3A_12 = tpu.memref_squeeze %dma_start3A_11 : memref<1x1024xf32, #tpu.memory_space<hbm>> -> memref<1024xf32, #tpu.memory_space<hbm>>
    %dma_start3A_13 = tpu.memref_slice %arg3[%dma_start3A_7, %mul3A_2] : memref<16x32768xf32, #tpu.memory_space<hbm>> -> memref<1x1024xf32, #tpu.memory_space<hbm>>
    %dma_start3A_14 = tpu.memref_squeeze %dma_start3A_13 : memref<1x1024xf32, #tpu.memory_space<hbm>> -> memref<1024xf32, #tpu.memory_space<hbm>>
    %dma_start3A_15 = arith.constant 0 : i32
    %dma_start3A_16 = tpu.memref_slice %arg5[%dma_start3A, %dma_start3A_15] : memref<16x1024xf32, #tpu.memory_space<vmem>> -> memref<1x1024xf32, #tpu.memory_space<vmem>>
    %dma_start3A_17 = tpu.memref_squeeze %dma_start3A_16 : memref<1x1024xf32, #tpu.memory_space<vmem>> -> memref<1024xf32, #tpu.memory_space<vmem>>
    tpu.enqueue_dma source(%dma_start3A_17 : memref<1024xf32, #tpu.memory_space<vmem>>) target(%dma_start3A_14 : memref<1024xf32, #tpu.memory_space<hbm>>) target_semaphore(%arg6 : memref<!tpu.dma_semaphore, #tpu.memory_space<semaphore_mem>>)
    %dma_start3A_18 = arith.constant 1 : i32
    %dma_start3A_19 = arith.constant 1 : i32
    %dma_start3A_20 = arith.constant 0 : i32
    %dma_start3A_21 = tpu.memref_slice %arg5[%dma_start3A_18, %dma_start3A_20] : memref<16x1024xf32, #tpu.memory_space<vmem>> -> memref<1x1024xf32, #tpu.memory_space<vmem>>
    %dma_start3A_22 = tpu.memref_squeeze %dma_start3A_21 : memref<1x1024xf32, #tpu.memory_space<vmem>> -> memref<1024xf32, #tpu.memory_space<vmem>>
    %dma_start3A_23 = tpu.memref_slice %arg3[%dma_start3A_19, %mul3A_2] : memref<16x32768xf32, #tpu.memory_space<hbm>> -> memref<1x1024xf32, #tpu.memory_space<hbm>>
    %dma_start3A_24 = tpu.memref_squeeze %dma_start3A_23 : memref<1x1024xf32, #tpu.memory_space<hbm>> -> memref<1024xf32, #tpu.memory_space<hbm>>
    %dma_start3A_25 = tpu.memref_slice %arg3[%dma_start3A_19, %mul3A_2] : memref<16x32768xf32, #tpu.memory_space<hbm>> -> memref<1x1024xf32, #tpu.memory_space<hbm>>
    %dma_start3A_26 = tpu.memref_squeeze %dma_start3A_25 : memref<1x1024xf32, #tpu.memory_space<hbm>> -> memref<1024xf32, #tpu.memory_space<hbm>>
    %dma_start3A_27 = arith.constant 0 : i32
    %dma_start3A_28 = tpu.memref_slice %arg5[%dma_start3A_18, %dma_start3A_27] : memref<16x1024xf32, #tpu.memory_space<vmem>> -> memref<1x1024xf32, #tpu.memory_space<vmem>>
    %dma_start3A_29 = tpu.memref_squeeze %dma_start3A_28 : memref<1x1024xf32, #tpu.memory_space<vmem>> -> memref<1024xf32, #tpu.memory_space<vmem>>
    tpu.enqueue_dma source(%dma_start3A_29 : memref<1024xf32, #tpu.memory_space<vmem>>) target(%dma_start3A_26 : memref<1024xf32, #tpu.memory_space<hbm>>) target_semaphore(%arg6 : memref<!tpu.dma_semaphore, #tpu.memory_space<semaphore_mem>>)
    %dma_start3A_30 = arith.constant 2 : i32
    %dma_start3A_31 = arith.constant 2 : i32
    %dma_start3A_32 = arith.constant 0 : i32
    %dma_start3A_33 = tpu.memref_slice %arg5[%dma_start3A_30, %dma_start3A_32] : memref<16x1024xf32, #tpu.memory_space<vmem>> -> memref<1x1024xf32, #tpu.memory_space<vmem>>
    %dma_start3A_34 = tpu.memref_squeeze %dma_start3A_33 : memref<1x1024xf32, #tpu.memory_space<vmem>> -> memref<1024xf32, #tpu.memory_space<vmem>>
    %dma_start3A_35 = tpu.memref_slice %arg3[%dma_start3A_31, %mul3A_2] : memref<16x32768xf32, #tpu.memory_space<hbm>> -> memref<1x1024xf32, #tpu.memory_space<hbm>>
    %dma_start3A_36 = tpu.memref_squeeze %dma_start3A_35 : memref<1x1024xf32, #tpu.memory_space<hbm>> -> memref<1024xf32, #tpu.memory_space<hbm>>
    %dma_start3A_37 = tpu.memref_slice %arg3[%dma_start3A_31, %mul3A_2] : memref<16x32768xf32, #tpu.memory_space<hbm>> -> memref<1x1024xf32, #tpu.memory_space<hbm>>
    %dma_start3A_38 = tpu.memref_squeeze %dma_start3A_37 : memref<1x1024xf32, #tpu.memory_space<hbm>> -> memref<1024xf32, #tpu.memory_space<hbm>>
    %dma_start3A_39 = arith.constant 0 : i32
    %dma_start3A_40 = tpu.memref_slice %arg5[%dma_start3A_30, %dma_start3A_39] : memref<16x1024xf32, #tpu.memory_space<vmem>> -> memref<1x1024xf32, #tpu.memory_space<vmem>>
    %dma_start3A_41 = tpu.memref_squeeze %dma_start3A_40 : memref<1x1024xf32, #tpu.memory_space<vmem>> -> memref<1024xf32, #tpu.memory_space<vmem>>
    tpu.enqueue_dma source(%dma_start3A_41 : memref<1024xf32, #tpu.memory_space<vmem>>) target(%dma_start3A_38 : memref<1024xf32, #tpu.memory_space<hbm>>) target_semaphore(%arg6 : memref<!tpu.dma_semaphore, #tpu.memory_space<semaphore_mem>>)
    %dma_start3A_42 = arith.constant 3 : i32
    %dma_start3A_43 = arith.constant 3 : i32
    %dma_start3A_44 = arith.constant 0 : i32
    %dma_start3A_45 = tpu.memref_slice %arg5[%dma_start3A_42, %dma_start3A_44] : memref<16x1024xf32, #tpu.memory_space<vmem>> -> memref<1x1024xf32, #tpu.memory_space<vmem>>
    %dma_start3A_46 = tpu.memref_squeeze %dma_start3A_45 : memref<1x1024xf32, #tpu.memory_space<vmem>> -> memref<1024xf32, #tpu.memory_space<vmem>>
    %dma_start3A_47 = tpu.memref_slice %arg3[%dma_start3A_43, %mul3A_2] : memref<16x32768xf32, #tpu.memory_space<hbm>> -> memref<1x1024xf32, #tpu.memory_space<hbm>>
    %dma_start3A_48 = tpu.memref_squeeze %dma_start3A_47 : memref<1x1024xf32, #tpu.memory_space<hbm>> -> memref<1024xf32, #tpu.memory_space<hbm>>
    %dma_start3A_49 = tpu.memref_slice %arg3[%dma_start3A_43, %mul3A_2] : memref<16x32768xf32, #tpu.memory_space<hbm>> -> memref<1x1024xf32, #tpu.memory_space<hbm>>
    %dma_start3A_50 = tpu.memref_squeeze %dma_start3A_49 : memref<1x1024xf32, #tpu.memory_space<hbm>> -> memref<1024xf32, #tpu.memory_space<hbm>>
    %dma_start3A_51 = arith.constant 0 : i32
    %dma_start3A_52 = tpu.memref_slice %arg5[%dma_start3A_42, %dma_start3A_51] : memref<16x1024xf32, #tpu.memory_space<vmem>> -> memref<1x1024xf32, #tpu.memory_space<vmem>>
    %dma_start3A_53 = tpu.memref_squeeze %dma_start3A_52 : memref<1x1024xf32, #tpu.memory_space<vmem>> -> memref<1024xf32, #tpu.memory_space<vmem>>
    tpu.enqueue_dma source(%dma_start3A_53 : memref<1024xf32, #tpu.memory_space<vmem>>) target(%dma_start3A_50 : memref<1024xf32, #tpu.memory_space<hbm>>) target_semaphore(%arg6 : memref<!tpu.dma_semaphore, #tpu.memory_space<semaphore_mem>>)
    %dma_start3A_54 = arith.constant 4 : i32
    %dma_start3A_55 = arith.constant 4 : i32
    %dma_start3A_56 = arith.constant 0 : i32
    %dma_start3A_57 = tpu.memref_slice %arg5[%dma_start3A_54, %dma_start3A_56] : memref<16x1024xf32, #tpu.memory_space<vmem>> -> memref<1x1024xf32, #tpu.memory_space<vmem>>
    %dma_start3A_58 = tpu.memref_squeeze %dma_start3A_57 : memref<1x1024xf32, #tpu.memory_space<vmem>> -> memref<1024xf32, #tpu.memory_space<vmem>>
    %dma_start3A_59 = tpu.memref_slice %arg3[%dma_start3A_55, %mul3A_2] : memref<16x32768xf32, #tpu.memory_space<hbm>> -> memref<1x1024xf32, #tpu.memory_space<hbm>>
    %dma_start3A_60 = tpu.memref_squeeze %dma_start3A_59 : memref<1x1024xf32, #tpu.memory_space<hbm>> -> memref<1024xf32, #tpu.memory_space<hbm>>
    %dma_start3A_61 = tpu.memref_slice %arg3[%dma_start3A_55, %mul3A_2] : memref<16x32768xf32, #tpu.memory_space<hbm>> -> memref<1x1024xf32, #tpu.memory_space<hbm>>
    %dma_start3A_62 = tpu.memref_squeeze %dma_start3A_61 : memref<1x1024xf32, #tpu.memory_space<hbm>> -> memref<1024xf32, #tpu.memory_space<hbm>>
    %dma_start3A_63 = arith.constant 0 : i32
    %dma_start3A_64 = tpu.memref_slice %arg5[%dma_start3A_54, %dma_start3A_63] : memref<16x1024xf32, #tpu.memory_space<vmem>> -> memref<1x1024xf32, #tpu.memory_space<vmem>>
    %dma_start3A_65 = tpu.memref_squeeze %dma_start3A_64 : memref<1x1024xf32, #tpu.memory_space<vmem>> -> memref<1024xf32, #tpu.memory_space<vmem>>
    tpu.enqueue_dma source(%dma_start3A_65 : memref<1024xf32, #tpu.memory_space<vmem>>) target(%dma_start3A_62 : memref<1024xf32, #tpu.memory_space<hbm>>) target_semaphore(%arg6 : memref<!tpu.dma_semaphore, #tpu.memory_space<semaphore_mem>>)
    %dma_start3A_66 = arith.constant 5 : i32
    %dma_start3A_67 = arith.constant 5 : i32
    %dma_start3A_68 = arith.constant 0 : i32
    %dma_start3A_69 = tpu.memref_slice %arg5[%dma_start3A_66, %dma_start3A_68] : memref<16x1024xf32, #tpu.memory_space<vmem>> -> memref<1x1024xf32, #tpu.memory_space<vmem>>
    %dma_start3A_70 = tpu.memref_squeeze %dma_start3A_69 : memref<1x1024xf32, #tpu.memory_space<vmem>> -> memref<1024xf32, #tpu.memory_space<vmem>>
    %dma_start3A_71 = tpu.memref_slice %arg3[%dma_start3A_67, %mul3A_2] : memref<16x32768xf32, #tpu.memory_space<hbm>> -> memref<1x1024xf32, #tpu.memory_space<hbm>>
    %dma_start3A_72 = tpu.memref_squeeze %dma_start3A_71 : memref<1x1024xf32, #tpu.memory_space<hbm>> -> memref<1024xf32, #tpu.memory_space<hbm>>
    %dma_start3A_73 = tpu.memref_slice %arg3[%dma_start3A_67, %mul3A_2] : memref<16x32768xf32, #tpu.memory_space<hbm>> -> memref<1x1024xf32, #tpu.memory_space<hbm>>
    %dma_start3A_74 = tpu.memref_squeeze %dma_start3A_73 : memref<1x1024xf32, #tpu.memory_space<hbm>> -> memref<1024xf32, #tpu.memory_space<hbm>>
    %dma_start3A_75 = arith.constant 0 : i32
    %dma_start3A_76 = tpu.memref_slice %arg5[%dma_start3A_66, %dma_start3A_75] : memref<16x1024xf32, #tpu.memory_space<vmem>> -> memref<1x1024xf32, #tpu.memory_space<vmem>>
    %dma_start3A_77 = tpu.memref_squeeze %dma_start3A_76 : memref<1x1024xf32, #tpu.memory_space<vmem>> -> memref<1024xf32, #tpu.memory_space<vmem>>
    tpu.enqueue_dma source(%dma_start3A_77 : memref<1024xf32, #tpu.memory_space<vmem>>) target(%dma_start3A_74 : memref<1024xf32, #tpu.memory_space<hbm>>) target_semaphore(%arg6 : memref<!tpu.dma_semaphore, #tpu.memory_space<semaphore_mem>>)
    %dma_start3A_78 = arith.constant 6 : i32
    %dma_start3A_79 = arith.constant 6 : i32
    %dma_start3A_80 = arith.constant 0 : i32
    %dma_start3A_81 = tpu.memref_slice %arg5[%dma_start3A_78, %dma_start3A_80] : memref<16x1024xf32, #tpu.memory_space<vmem>> -> memref<1x1024xf32, #tpu.memory_space<vmem>>
    %dma_start3A_82 = tpu.memref_squeeze %dma_start3A_81 : memref<1x1024xf32, #tpu.memory_space<vmem>> -> memref<1024xf32, #tpu.memory_space<vmem>>
    %dma_start3A_83 = tpu.memref_slice %arg3[%dma_start3A_79, %mul3A_2] : memref<16x32768xf32, #tpu.memory_space<hbm>> -> memref<1x1024xf32, #tpu.memory_space<hbm>>
    %dma_start3A_84 = tpu.memref_squeeze %dma_start3A_83 : memref<1x1024xf32, #tpu.memory_space<hbm>> -> memref<1024xf32, #tpu.memory_space<hbm>>
    %dma_start3A_85 = tpu.memref_slice %arg3[%dma_start3A_79, %mul3A_2] : memref<16x32768xf32, #tpu.memory_space<hbm>> -> memref<1x1024xf32, #tpu.memory_space<hbm>>
    %dma_start3A_86 = tpu.memref_squeeze %dma_start3A_85 : memref<1x1024xf32, #tpu.memory_space<hbm>> -> memref<1024xf32, #tpu.memory_space<hbm>>
    %dma_start3A_87 = arith.constant 0 : i32
    %dma_start3A_88 = tpu.memref_slice %arg5[%dma_start3A_78, %dma_start3A_87] : memref<16x1024xf32, #tpu.memory_space<vmem>> -> memref<1x1024xf32, #tpu.memory_space<vmem>>
    %dma_start3A_89 = tpu.memref_squeeze %dma_start3A_88 : memref<1x1024xf32, #tpu.memory_space<vmem>> -> memref<1024xf32, #tpu.memory_space<vmem>>
    tpu.enqueue_dma source(%dma_start3A_89 : memref<1024xf32, #tpu.memory_space<vmem>>) target(%dma_start3A_86 : memref<1024xf32, #tpu.memory_space<hbm>>) target_semaphore(%arg6 : memref<!tpu.dma_semaphore, #tpu.memory_space<semaphore_mem>>)
    %dma_start3A_90 = arith.constant 7 : i32
    %dma_start3A_91 = arith.constant 7 : i32
    %dma_start3A_92 = arith.constant 0 : i32
    %dma_start3A_93 = tpu.memref_slice %arg5[%dma_start3A_90, %dma_start3A_92] : memref<16x1024xf32, #tpu.memory_space<vmem>> -> memref<1x1024xf32, #tpu.memory_space<vmem>>
    %dma_start3A_94 = tpu.memref_squeeze %dma_start3A_93 : memref<1x1024xf32, #tpu.memory_space<vmem>> -> memref<1024xf32, #tpu.memory_space<vmem>>
    %dma_start3A_95 = tpu.memref_slice %arg3[%dma_start3A_91, %mul3A_2] : memref<16x32768xf32, #tpu.memory_space<hbm>> -> memref<1x1024xf32, #tpu.memory_space<hbm>>
    %dma_start3A_96 = tpu.memref_squeeze %dma_start3A_95 : memref<1x1024xf32, #tpu.memory_space<hbm>> -> memref<1024xf32, #tpu.memory_space<hbm>>
    %dma_start3A_97 = tpu.memref_slice %arg3[%dma_start3A_91, %mul3A_2] : memref<16x32768xf32, #tpu.memory_space<hbm>> -> memref<1x1024xf32, #tpu.memory_space<hbm>>
    %dma_start3A_98 = tpu.memref_squeeze %dma_start3A_97 : memref<1x1024xf32, #tpu.memory_space<hbm>> -> memref<1024xf32, #tpu.memory_space<hbm>>
    %dma_start3A_99 = arith.constant 0 : i32
    %dma_start3A_100 = tpu.memref_slice %arg5[%dma_start3A_90, %dma_start3A_99] : memref<16x1024xf32, #tpu.memory_space<vmem>> -> memref<1x1024xf32, #tpu.memory_space<vmem>>
    %dma_start3A_101 = tpu.memref_squeeze %dma_start3A_100 : memref<1x1024xf32, #tpu.memory_space<vmem>> -> memref<1024xf32, #tpu.memory_space<vmem>>
    tpu.enqueue_dma source(%dma_start3A_101 : memref<1024xf32, #tpu.memory_space<vmem>>) target(%dma_start3A_98 : memref<1024xf32, #tpu.memory_space<hbm>>) target_semaphore(%arg6 : memref<!tpu.dma_semaphore, #tpu.memory_space<semaphore_mem>>)
    %dma_start3A_102 = arith.constant 8 : i32
    %dma_start3A_103 = arith.constant 8 : i32
    %dma_start3A_104 = arith.constant 0 : i32
    %dma_start3A_105 = tpu.memref_slice %arg5[%dma_start3A_102, %dma_start3A_104] : memref<16x1024xf32, #tpu.memory_space<vmem>> -> memref<1x1024xf32, #tpu.memory_space<vmem>>
    %dma_start3A_106 = tpu.memref_squeeze %dma_start3A_105 : memref<1x1024xf32, #tpu.memory_space<vmem>> -> memref<1024xf32, #tpu.memory_space<vmem>>
    %dma_start3A_107 = tpu.memref_slice %arg3[%dma_start3A_103, %mul3A_2] : memref<16x32768xf32, #tpu.memory_space<hbm>> -> memref<1x1024xf32, #tpu.memory_space<hbm>>
    %dma_start3A_108 = tpu.memref_squeeze %dma_start3A_107 : memref<1x1024xf32, #tpu.memory_space<hbm>> -> memref<1024xf32, #tpu.memory_space<hbm>>
    %dma_start3A_109 = tpu.memref_slice %arg3[%dma_start3A_103, %mul3A_2] : memref<16x32768xf32, #tpu.memory_space<hbm>> -> memref<1x1024xf32, #tpu.memory_space<hbm>>
    %dma_start3A_110 = tpu.memref_squeeze %dma_start3A_109 : memref<1x1024xf32, #tpu.memory_space<hbm>> -> memref<1024xf32, #tpu.memory_space<hbm>>
    %dma_start3A_111 = arith.constant 0 : i32
    %dma_start3A_112 = tpu.memref_slice %arg5[%dma_start3A_102, %dma_start3A_111] : memref<16x1024xf32, #tpu.memory_space<vmem>> -> memref<1x1024xf32, #tpu.memory_space<vmem>>
    %dma_start3A_113 = tpu.memref_squeeze %dma_start3A_112 : memref<1x1024xf32, #tpu.memory_space<vmem>> -> memref<1024xf32, #tpu.memory_space<vmem>>
    tpu.enqueue_dma source(%dma_start3A_113 : memref<1024xf32, #tpu.memory_space<vmem>>) target(%dma_start3A_110 : memref<1024xf32, #tpu.memory_space<hbm>>) target_semaphore(%arg6 : memref<!tpu.dma_semaphore, #tpu.memory_space<semaphore_mem>>)
    %dma_start3A_114 = arith.constant 9 : i32
    %dma_start3A_115 = arith.constant 9 : i32
    %dma_start3A_116 = arith.constant 0 : i32
    %dma_start3A_117 = tpu.memref_slice %arg5[%dma_start3A_114, %dma_start3A_116] : memref<16x1024xf32, #tpu.memory_space<vmem>> -> memref<1x1024xf32, #tpu.memory_space<vmem>>
    %dma_start3A_118 = tpu.memref_squeeze %dma_start3A_117 : memref<1x1024xf32, #tpu.memory_space<vmem>> -> memref<1024xf32, #tpu.memory_space<vmem>>
    %dma_start3A_119 = tpu.memref_slice %arg3[%dma_start3A_115, %mul3A_2] : memref<16x32768xf32, #tpu.memory_space<hbm>> -> memref<1x1024xf32, #tpu.memory_space<hbm>>
    %dma_start3A_120 = tpu.memref_squeeze %dma_start3A_119 : memref<1x1024xf32, #tpu.memory_space<hbm>> -> memref<1024xf32, #tpu.memory_space<hbm>>
    %dma_start3A_121 = tpu.memref_slice %arg3[%dma_start3A_115, %mul3A_2] : memref<16x32768xf32, #tpu.memory_space<hbm>> -> memref<1x1024xf32, #tpu.memory_space<hbm>>
    %dma_start3A_122 = tpu.memref_squeeze %dma_start3A_121 : memref<1x1024xf32, #tpu.memory_space<hbm>> -> memref<1024xf32, #tpu.memory_space<hbm>>
    %dma_start3A_123 = arith.constant 0 : i32
    %dma_start3A_124 = tpu.memref_slice %arg5[%dma_start3A_114, %dma_start3A_123] : memref<16x1024xf32, #tpu.memory_space<vmem>> -> memref<1x1024xf32, #tpu.memory_space<vmem>>
    %dma_start3A_125 = tpu.memref_squeeze %dma_start3A_124 : memref<1x1024xf32, #tpu.memory_space<vmem>> -> memref<1024xf32, #tpu.memory_space<vmem>>
    tpu.enqueue_dma source(%dma_start3A_125 : memref<1024xf32, #tpu.memory_space<vmem>>) target(%dma_start3A_122 : memref<1024xf32, #tpu.memory_space<hbm>>) target_semaphore(%arg6 : memref<!tpu.dma_semaphore, #tpu.memory_space<semaphore_mem>>)
    %dma_start3A_126 = arith.constant 10 : i32
    %dma_start3A_127 = arith.constant 10 : i32
    %dma_start3A_128 = arith.constant 0 : i32
    %dma_start3A_129 = tpu.memref_slice %arg5[%dma_start3A_126, %dma_start3A_128] : memref<16x1024xf32, #tpu.memory_space<vmem>> -> memref<1x1024xf32, #tpu.memory_space<vmem>>
    %dma_start3A_130 = tpu.memref_squeeze %dma_start3A_129 : memref<1x1024xf32, #tpu.memory_space<vmem>> -> memref<1024xf32, #tpu.memory_space<vmem>>
    %dma_start3A_131 = tpu.memref_slice %arg3[%dma_start3A_127, %mul3A_2] : memref<16x32768xf32, #tpu.memory_space<hbm>> -> memref<1x1024xf32, #tpu.memory_space<hbm>>
    %dma_start3A_132 = tpu.memref_squeeze %dma_start3A_131 : memref<1x1024xf32, #tpu.memory_space<hbm>> -> memref<1024xf32, #tpu.memory_space<hbm>>
    %dma_start3A_133 = tpu.memref_slice %arg3[%dma_start3A_127, %mul3A_2] : memref<16x32768xf32, #tpu.memory_space<hbm>> -> memref<1x1024xf32, #tpu.memory_space<hbm>>
    %dma_start3A_134 = tpu.memref_squeeze %dma_start3A_133 : memref<1x1024xf32, #tpu.memory_space<hbm>> -> memref<1024xf32, #tpu.memory_space<hbm>>
    %dma_start3A_135 = arith.constant 0 : i32
    %dma_start3A_136 = tpu.memref_slice %arg5[%dma_start3A_126, %dma_start3A_135] : memref<16x1024xf32, #tpu.memory_space<vmem>> -> memref<1x1024xf32, #tpu.memory_space<vmem>>
    %dma_start3A_137 = tpu.memref_squeeze %dma_start3A_136 : memref<1x1024xf32, #tpu.memory_space<vmem>> -> memref<1024xf32, #tpu.memory_space<vmem>>
    tpu.enqueue_dma source(%dma_start3A_137 : memref<1024xf32, #tpu.memory_space<vmem>>) target(%dma_start3A_134 : memref<1024xf32, #tpu.memory_space<hbm>>) target_semaphore(%arg6 : memref<!tpu.dma_semaphore, #tpu.memory_space<semaphore_mem>>)
    %dma_start3A_138 = arith.constant 11 : i32
    %dma_start3A_139 = arith.constant 11 : i32
    %dma_start3A_140 = arith.constant 0 : i32
    %dma_start3A_141 = tpu.memref_slice %arg5[%dma_start3A_138, %dma_start3A_140] : memref<16x1024xf32, #tpu.memory_space<vmem>> -> memref<1x1024xf32, #tpu.memory_space<vmem>>
    %dma_start3A_142 = tpu.memref_squeeze %dma_start3A_141 : memref<1x1024xf32, #tpu.memory_space<vmem>> -> memref<1024xf32, #tpu.memory_space<vmem>>
    %dma_start3A_143 = tpu.memref_slice %arg3[%dma_start3A_139, %mul3A_2] : memref<16x32768xf32, #tpu.memory_space<hbm>> -> memref<1x1024xf32, #tpu.memory_space<hbm>>
    %dma_start3A_144 = tpu.memref_squeeze %dma_start3A_143 : memref<1x1024xf32, #tpu.memory_space<hbm>> -> memref<1024xf32, #tpu.memory_space<hbm>>
    %dma_start3A_145 = tpu.memref_slice %arg3[%dma_start3A_139, %mul3A_2] : memref<16x32768xf32, #tpu.memory_space<hbm>> -> memref<1x1024xf32, #tpu.memory_space<hbm>>
    %dma_start3A_146 = tpu.memref_squeeze %dma_start3A_145 : memref<1x1024xf32, #tpu.memory_space<hbm>> -> memref<1024xf32, #tpu.memory_space<hbm>>
    %dma_start3A_147 = arith.constant 0 : i32
    %dma_start3A_148 = tpu.memref_slice %arg5[%dma_start3A_138, %dma_start3A_147] : memref<16x1024xf32, #tpu.memory_space<vmem>> -> memref<1x1024xf32, #tpu.memory_space<vmem>>
    %dma_start3A_149 = tpu.memref_squeeze %dma_start3A_148 : memref<1x1024xf32, #tpu.memory_space<vmem>> -> memref<1024xf32, #tpu.memory_space<vmem>>
    tpu.enqueue_dma source(%dma_start3A_149 : memref<1024xf32, #tpu.memory_space<vmem>>) target(%dma_start3A_146 : memref<1024xf32, #tpu.memory_space<hbm>>) target_semaphore(%arg6 : memref<!tpu.dma_semaphore, #tpu.memory_space<semaphore_mem>>)
    %dma_start3A_150 = arith.constant 12 : i32
    %dma_start3A_151 = arith.constant 12 : i32
    %dma_start3A_152 = arith.constant 0 : i32
    %dma_start3A_153 = tpu.memref_slice %arg5[%dma_start3A_150, %dma_start3A_152] : memref<16x1024xf32, #tpu.memory_space<vmem>> -> memref<1x1024xf32, #tpu.memory_space<vmem>>
    %dma_start3A_154 = tpu.memref_squeeze %dma_start3A_153 : memref<1x1024xf32, #tpu.memory_space<vmem>> -> memref<1024xf32, #tpu.memory_space<vmem>>
    %dma_start3A_155 = tpu.memref_slice %arg3[%dma_start3A_151, %mul3A_2] : memref<16x32768xf32, #tpu.memory_space<hbm>> -> memref<1x1024xf32, #tpu.memory_space<hbm>>
    %dma_start3A_156 = tpu.memref_squeeze %dma_start3A_155 : memref<1x1024xf32, #tpu.memory_space<hbm>> -> memref<1024xf32, #tpu.memory_space<hbm>>
    %dma_start3A_157 = tpu.memref_slice %arg3[%dma_start3A_151, %mul3A_2] : memref<16x32768xf32, #tpu.memory_space<hbm>> -> memref<1x1024xf32, #tpu.memory_space<hbm>>
    %dma_start3A_158 = tpu.memref_squeeze %dma_start3A_157 : memref<1x1024xf32, #tpu.memory_space<hbm>> -> memref<1024xf32, #tpu.memory_space<hbm>>
    %dma_start3A_159 = arith.constant 0 : i32
    %dma_start3A_160 = tpu.memref_slice %arg5[%dma_start3A_150, %dma_start3A_159] : memref<16x1024xf32, #tpu.memory_space<vmem>> -> memref<1x1024xf32, #tpu.memory_space<vmem>>
    %dma_start3A_161 = tpu.memref_squeeze %dma_start3A_160 : memref<1x1024xf32, #tpu.memory_space<vmem>> -> memref<1024xf32, #tpu.memory_space<vmem>>
    tpu.enqueue_dma source(%dma_start3A_161 : memref<1024xf32, #tpu.memory_space<vmem>>) target(%dma_start3A_158 : memref<1024xf32, #tpu.memory_space<hbm>>) target_semaphore(%arg6 : memref<!tpu.dma_semaphore, #tpu.memory_space<semaphore_mem>>)
    %dma_start3A_162 = arith.constant 13 : i32
    %dma_start3A_163 = arith.constant 13 : i32
    %dma_start3A_164 = arith.constant 0 : i32
    %dma_start3A_165 = tpu.memref_slice %arg5[%dma_start3A_162, %dma_start3A_164] : memref<16x1024xf32, #tpu.memory_space<vmem>> -> memref<1x1024xf32, #tpu.memory_space<vmem>>
    %dma_start3A_166 = tpu.memref_squeeze %dma_start3A_165 : memref<1x1024xf32, #tpu.memory_space<vmem>> -> memref<1024xf32, #tpu.memory_space<vmem>>
    %dma_start3A_167 = tpu.memref_slice %arg3[%dma_start3A_163, %mul3A_2] : memref<16x32768xf32, #tpu.memory_space<hbm>> -> memref<1x1024xf32, #tpu.memory_space<hbm>>
    %dma_start3A_168 = tpu.memref_squeeze %dma_start3A_167 : memref<1x1024xf32, #tpu.memory_space<hbm>> -> memref<1024xf32, #tpu.memory_space<hbm>>
    %dma_start3A_169 = tpu.memref_slice %arg3[%dma_start3A_163, %mul3A_2] : memref<16x32768xf32, #tpu.memory_space<hbm>> -> memref<1x1024xf32, #tpu.memory_space<hbm>>
    %dma_start3A_170 = tpu.memref_squeeze %dma_start3A_169 : memref<1x1024xf32, #tpu.memory_space<hbm>> -> memref<1024xf32, #tpu.memory_space<hbm>>
    %dma_start3A_171 = arith.constant 0 : i32
    %dma_start3A_172 = tpu.memref_slice %arg5[%dma_start3A_162, %dma_start3A_171] : memref<16x1024xf32, #tpu.memory_space<vmem>> -> memref<1x1024xf32, #tpu.memory_space<vmem>>
    %dma_start3A_173 = tpu.memref_squeeze %dma_start3A_172 : memref<1x1024xf32, #tpu.memory_space<vmem>> -> memref<1024xf32, #tpu.memory_space<vmem>>
    tpu.enqueue_dma source(%dma_start3A_173 : memref<1024xf32, #tpu.memory_space<vmem>>) target(%dma_start3A_170 : memref<1024xf32, #tpu.memory_space<hbm>>) target_semaphore(%arg6 : memref<!tpu.dma_semaphore, #tpu.memory_space<semaphore_mem>>)
    %dma_start3A_174 = arith.constant 14 : i32
    %dma_start3A_175 = arith.constant 14 : i32
    %dma_start3A_176 = arith.constant 0 : i32
    %dma_start3A_177 = tpu.memref_slice %arg5[%dma_start3A_174, %dma_start3A_176] : memref<16x1024xf32, #tpu.memory_space<vmem>> -> memref<1x1024xf32, #tpu.memory_space<vmem>>
    %dma_start3A_178 = tpu.memref_squeeze %dma_start3A_177 : memref<1x1024xf32, #tpu.memory_space<vmem>> -> memref<1024xf32, #tpu.memory_space<vmem>>
    %dma_start3A_179 = tpu.memref_slice %arg3[%dma_start3A_175, %mul3A_2] : memref<16x32768xf32, #tpu.memory_space<hbm>> -> memref<1x1024xf32, #tpu.memory_space<hbm>>
    %dma_start3A_180 = tpu.memref_squeeze %dma_start3A_179 : memref<1x1024xf32, #tpu.memory_space<hbm>> -> memref<1024xf32, #tpu.memory_space<hbm>>
    %dma_start3A_181 = tpu.memref_slice %arg3[%dma_start3A_175, %mul3A_2] : memref<16x32768xf32, #tpu.memory_space<hbm>> -> memref<1x1024xf32, #tpu.memory_space<hbm>>
    %dma_start3A_182 = tpu.memref_squeeze %dma_start3A_181 : memref<1x1024xf32, #tpu.memory_space<hbm>> -> memref<1024xf32, #tpu.memory_space<hbm>>
    %dma_start3A_183 = arith.constant 0 : i32
    %dma_start3A_184 = tpu.memref_slice %arg5[%dma_start3A_174, %dma_start3A_183] : memref<16x1024xf32, #tpu.memory_space<vmem>> -> memref<1x1024xf32, #tpu.memory_space<vmem>>
    %dma_start3A_185 = tpu.memref_squeeze %dma_start3A_184 : memref<1x1024xf32, #tpu.memory_space<vmem>> -> memref<1024xf32, #tpu.memory_space<vmem>>
    tpu.enqueue_dma source(%dma_start3A_185 : memref<1024xf32, #tpu.memory_space<vmem>>) target(%dma_start3A_182 : memref<1024xf32, #tpu.memory_space<hbm>>) target_semaphore(%arg6 : memref<!tpu.dma_semaphore, #tpu.memory_space<semaphore_mem>>)
    %dma_start3A_186 = arith.constant 15 : i32
    %dma_start3A_187 = arith.constant 15 : i32
    %dma_start3A_188 = arith.constant 0 : i32
    %dma_start3A_189 = tpu.memref_slice %arg5[%dma_start3A_186, %dma_start3A_188] : memref<16x1024xf32, #tpu.memory_space<vmem>> -> memref<1x1024xf32, #tpu.memory_space<vmem>>
    %dma_start3A_190 = tpu.memref_squeeze %dma_start3A_189 : memref<1x1024xf32, #tpu.memory_space<vmem>> -> memref<1024xf32, #tpu.memory_space<vmem>>
    %dma_start3A_191 = tpu.memref_slice %arg3[%dma_start3A_187, %mul3A_2] : memref<16x32768xf32, #tpu.memory_space<hbm>> -> memref<1x1024xf32, #tpu.memory_space<hbm>>
    %dma_start3A_192 = tpu.memref_squeeze %dma_start3A_191 : memref<1x1024xf32, #tpu.memory_space<hbm>> -> memref<1024xf32, #tpu.memory_space<hbm>>
    %dma_start3A_193 = tpu.memref_slice %arg3[%dma_start3A_187, %mul3A_2] : memref<16x32768xf32, #tpu.memory_space<hbm>> -> memref<1x1024xf32, #tpu.memory_space<hbm>>
    %dma_start3A_194 = tpu.memref_squeeze %dma_start3A_193 : memref<1x1024xf32, #tpu.memory_space<hbm>> -> memref<1024xf32, #tpu.memory_space<hbm>>
    %dma_start3A_195 = arith.constant 0 : i32
    %dma_start3A_196 = tpu.memref_slice %arg5[%dma_start3A_186, %dma_start3A_195] : memref<16x1024xf32, #tpu.memory_space<vmem>> -> memref<1x1024xf32, #tpu.memory_space<vmem>>
    %dma_start3A_197 = tpu.memref_squeeze %dma_start3A_196 : memref<1x1024xf32, #tpu.memory_space<vmem>> -> memref<1024xf32, #tpu.memory_space<vmem>>
    tpu.enqueue_dma source(%dma_start3A_197 : memref<1024xf32, #tpu.memory_space<vmem>>) target(%dma_start3A_194 : memref<1024xf32, #tpu.memory_space<hbm>>) target_semaphore(%arg6 : memref<!tpu.dma_semaphore, #tpu.memory_space<semaphore_mem>>)
    %dma_wait3A = arith.constant 0 : i32
    %dma_wait3A_198 = arith.constant 0 : i32
    %dma_wait3A_199 = arith.constant 0 : i32
    %dma_wait3A_200 = tpu.memref_slice %arg5[%dma_wait3A, %dma_wait3A_199] : memref<16x1024xf32, #tpu.memory_space<vmem>> -> memref<1x1024xf32, #tpu.memory_space<vmem>>
    %dma_wait3A_201 = tpu.memref_squeeze %dma_wait3A_200 : memref<1x1024xf32, #tpu.memory_space<vmem>> -> memref<1024xf32, #tpu.memory_space<vmem>>
    %dma_wait3A_202 = tpu.memref_slice %arg3[%dma_wait3A_198, %mul3A_2] : memref<16x32768xf32, #tpu.memory_space<hbm>> -> memref<1x1024xf32, #tpu.memory_space<hbm>>
    %dma_wait3A_203 = tpu.memref_squeeze %dma_wait3A_202 : memref<1x1024xf32, #tpu.memory_space<hbm>> -> memref<1024xf32, #tpu.memory_space<hbm>>
    %dma_wait3A_204 = tpu.memref_slice %arg3[%dma_wait3A_198, %mul3A_2] : memref<16x32768xf32, #tpu.memory_space<hbm>> -> memref<1x1024xf32, #tpu.memory_space<hbm>>
    %dma_wait3A_205 = tpu.memref_squeeze %dma_wait3A_204 : memref<1x1024xf32, #tpu.memory_space<hbm>> -> memref<1024xf32, #tpu.memory_space<hbm>>
    %dma_wait3A_206 = arith.constant 0 : i32
    %dma_wait3A_207 = tpu.memref_slice %arg5[%dma_wait3A, %dma_wait3A_206] : memref<16x1024xf32, #tpu.memory_space<vmem>> -> memref<1x1024xf32, #tpu.memory_space<vmem>>
    %dma_wait3A_208 = tpu.memref_squeeze %dma_wait3A_207 : memref<1x1024xf32, #tpu.memory_space<vmem>> -> memref<1024xf32, #tpu.memory_space<vmem>>
    tpu.wait_dma2 semaphore(%arg6 : memref<!tpu.dma_semaphore, #tpu.memory_space<semaphore_mem>>) src(%dma_wait3A_208 : memref<1024xf32, #tpu.memory_space<vmem>>) dst(%dma_wait3A_205 : memref<1024xf32, #tpu.memory_space<hbm>>)
    %dma_wait3A_209 = arith.constant 1 : i32
    %dma_wait3A_210 = arith.constant 1 : i32
    %dma_wait3A_211 = arith.constant 0 : i32
    %dma_wait3A_212 = tpu.memref_slice %arg5[%dma_wait3A_209, %dma_wait3A_211] : memref<16x1024xf32, #tpu.memory_space<vmem>> -> memref<1x1024xf32, #tpu.memory_space<vmem>>
    %dma_wait3A_213 = tpu.memref_squeeze %dma_wait3A_212 : memref<1x1024xf32, #tpu.memory_space<vmem>> -> memref<1024xf32, #tpu.memory_space<vmem>>
    %dma_wait3A_214 = tpu.memref_slice %arg3[%dma_wait3A_210, %mul3A_2] : memref<16x32768xf32, #tpu.memory_space<hbm>> -> memref<1x1024xf32, #tpu.memory_space<hbm>>
    %dma_wait3A_215 = tpu.memref_squeeze %dma_wait3A_214 : memref<1x1024xf32, #tpu.memory_space<hbm>> -> memref<1024xf32, #tpu.memory_space<hbm>>
    %dma_wait3A_216 = tpu.memref_slice %arg3[%dma_wait3A_210, %mul3A_2] : memref<16x32768xf32, #tpu.memory_space<hbm>> -> memref<1x1024xf32, #tpu.memory_space<hbm>>
    %dma_wait3A_217 = tpu.memref_squeeze %dma_wait3A_216 : memref<1x1024xf32, #tpu.memory_space<hbm>> -> memref<1024xf32, #tpu.memory_space<hbm>>
    %dma_wait3A_218 = arith.constant 0 : i32
    %dma_wait3A_219 = tpu.memref_slice %arg5[%dma_wait3A_209, %dma_wait3A_218] : memref<16x1024xf32, #tpu.memory_space<vmem>> -> memref<1x1024xf32, #tpu.memory_space<vmem>>
    %dma_wait3A_220 = tpu.memref_squeeze %dma_wait3A_219 : memref<1x1024xf32, #tpu.memory_space<vmem>> -> memref<1024xf32, #tpu.memory_space<vmem>>
    tpu.wait_dma2 semaphore(%arg6 : memref<!tpu.dma_semaphore, #tpu.memory_space<semaphore_mem>>) src(%dma_wait3A_220 : memref<1024xf32, #tpu.memory_space<vmem>>) dst(%dma_wait3A_217 : memref<1024xf32, #tpu.memory_space<hbm>>)
    %dma_wait3A_221 = arith.constant 2 : i32
    %dma_wait3A_222 = arith.constant 2 : i32
    %dma_wait3A_223 = arith.constant 0 : i32
    %dma_wait3A_224 = tpu.memref_slice %arg5[%dma_wait3A_221, %dma_wait3A_223] : memref<16x1024xf32, #tpu.memory_space<vmem>> -> memref<1x1024xf32, #tpu.memory_space<vmem>>
    %dma_wait3A_225 = tpu.memref_squeeze %dma_wait3A_224 : memref<1x1024xf32, #tpu.memory_space<vmem>> -> memref<1024xf32, #tpu.memory_space<vmem>>
    %dma_wait3A_226 = tpu.memref_slice %arg3[%dma_wait3A_222, %mul3A_2] : memref<16x32768xf32, #tpu.memory_space<hbm>> -> memref<1x1024xf32, #tpu.memory_space<hbm>>
    %dma_wait3A_227 = tpu.memref_squeeze %dma_wait3A_226 : memref<1x1024xf32, #tpu.memory_space<hbm>> -> memref<1024xf32, #tpu.memory_space<hbm>>
    %dma_wait3A_228 = tpu.memref_slice %arg3[%dma_wait3A_222, %mul3A_2] : memref<16x32768xf32, #tpu.memory_space<hbm>> -> memref<1x1024xf32, #tpu.memory_space<hbm>>
    %dma_wait3A_229 = tpu.memref_squeeze %dma_wait3A_228 : memref<1x1024xf32, #tpu.memory_space<hbm>> -> memref<1024xf32, #tpu.memory_space<hbm>>
    %dma_wait3A_230 = arith.constant 0 : i32
    %dma_wait3A_231 = tpu.memref_slice %arg5[%dma_wait3A_221, %dma_wait3A_230] : memref<16x1024xf32, #tpu.memory_space<vmem>> -> memref<1x1024xf32, #tpu.memory_space<vmem>>
    %dma_wait3A_232 = tpu.memref_squeeze %dma_wait3A_231 : memref<1x1024xf32, #tpu.memory_space<vmem>> -> memref<1024xf32, #tpu.memory_space<vmem>>
    tpu.wait_dma2 semaphore(%arg6 : memref<!tpu.dma_semaphore, #tpu.memory_space<semaphore_mem>>) src(%dma_wait3A_232 : memref<1024xf32, #tpu.memory_space<vmem>>) dst(%dma_wait3A_229 : memref<1024xf32, #tpu.memory_space<hbm>>)
    %dma_wait3A_233 = arith.constant 3 : i32
    %dma_wait3A_234 = arith.constant 3 : i32
    %dma_wait3A_235 = arith.constant 0 : i32
    %dma_wait3A_236 = tpu.memref_slice %arg5[%dma_wait3A_233, %dma_wait3A_235] : memref<16x1024xf32, #tpu.memory_space<vmem>> -> memref<1x1024xf32, #tpu.memory_space<vmem>>
    %dma_wait3A_237 = tpu.memref_squeeze %dma_wait3A_236 : memref<1x1024xf32, #tpu.memory_space<vmem>> -> memref<1024xf32, #tpu.memory_space<vmem>>
    %dma_wait3A_238 = tpu.memref_slice %arg3[%dma_wait3A_234, %mul3A_2] : memref<16x32768xf32, #tpu.memory_space<hbm>> -> memref<1x1024xf32, #tpu.memory_space<hbm>>
    %dma_wait3A_239 = tpu.memref_squeeze %dma_wait3A_238 : memref<1x1024xf32, #tpu.memory_space<hbm>> -> memref<1024xf32, #tpu.memory_space<hbm>>
    %dma_wait3A_240 = tpu.memref_slice %arg3[%dma_wait3A_234, %mul3A_2] : memref<16x32768xf32, #tpu.memory_space<hbm>> -> memref<1x1024xf32, #tpu.memory_space<hbm>>
    %dma_wait3A_241 = tpu.memref_squeeze %dma_wait3A_240 : memref<1x1024xf32, #tpu.memory_space<hbm>> -> memref<1024xf32, #tpu.memory_space<hbm>>
    %dma_wait3A_242 = arith.constant 0 : i32
    %dma_wait3A_243 = tpu.memref_slice %arg5[%dma_wait3A_233, %dma_wait3A_242] : memref<16x1024xf32, #tpu.memory_space<vmem>> -> memref<1x1024xf32, #tpu.memory_space<vmem>>
    %dma_wait3A_244 = tpu.memref_squeeze %dma_wait3A_243 : memref<1x1024xf32, #tpu.memory_space<vmem>> -> memref<1024xf32, #tpu.memory_space<vmem>>
    tpu.wait_dma2 semaphore(%arg6 : memref<!tpu.dma_semaphore, #tpu.memory_space<semaphore_mem>>) src(%dma_wait3A_244 : memref<1024xf32, #tpu.memory_space<vmem>>) dst(%dma_wait3A_241 : memref<1024xf32, #tpu.memory_space<hbm>>)
    %dma_wait3A_245 = arith.constant 4 : i32
    %dma_wait3A_246 = arith.constant 4 : i32
    %dma_wait3A_247 = arith.constant 0 : i32
    %dma_wait3A_248 = tpu.memref_slice %arg5[%dma_wait3A_245, %dma_wait3A_247] : memref<16x1024xf32, #tpu.memory_space<vmem>> -> memref<1x1024xf32, #tpu.memory_space<vmem>>
    %dma_wait3A_249 = tpu.memref_squeeze %dma_wait3A_248 : memref<1x1024xf32, #tpu.memory_space<vmem>> -> memref<1024xf32, #tpu.memory_space<vmem>>
    %dma_wait3A_250 = tpu.memref_slice %arg3[%dma_wait3A_246, %mul3A_2] : memref<16x32768xf32, #tpu.memory_space<hbm>> -> memref<1x1024xf32, #tpu.memory_space<hbm>>
    %dma_wait3A_251 = tpu.memref_squeeze %dma_wait3A_250 : memref<1x1024xf32, #tpu.memory_space<hbm>> -> memref<1024xf32, #tpu.memory_space<hbm>>
    %dma_wait3A_252 = tpu.memref_slice %arg3[%dma_wait3A_246, %mul3A_2] : memref<16x32768xf32, #tpu.memory_space<hbm>> -> memref<1x1024xf32, #tpu.memory_space<hbm>>
    %dma_wait3A_253 = tpu.memref_squeeze %dma_wait3A_252 : memref<1x1024xf32, #tpu.memory_space<hbm>> -> memref<1024xf32, #tpu.memory_space<hbm>>
    %dma_wait3A_254 = arith.constant 0 : i32
    %dma_wait3A_255 = tpu.memref_slice %arg5[%dma_wait3A_245, %dma_wait3A_254] : memref<16x1024xf32, #tpu.memory_space<vmem>> -> memref<1x1024xf32, #tpu.memory_space<vmem>>
    %dma_wait3A_256 = tpu.memref_squeeze %dma_wait3A_255 : memref<1x1024xf32, #tpu.memory_space<vmem>> -> memref<1024xf32, #tpu.memory_space<vmem>>
    tpu.wait_dma2 semaphore(%arg6 : memref<!tpu.dma_semaphore, #tpu.memory_space<semaphore_mem>>) src(%dma_wait3A_256 : memref<1024xf32, #tpu.memory_space<vmem>>) dst(%dma_wait3A_253 : memref<1024xf32, #tpu.memory_space<hbm>>)
    %dma_wait3A_257 = arith.constant 5 : i32
    %dma_wait3A_258 = arith.constant 5 : i32
    %dma_wait3A_259 = arith.constant 0 : i32
    %dma_wait3A_260 = tpu.memref_slice %arg5[%dma_wait3A_257, %dma_wait3A_259] : memref<16x1024xf32, #tpu.memory_space<vmem>> -> memref<1x1024xf32, #tpu.memory_space<vmem>>
    %dma_wait3A_261 = tpu.memref_squeeze %dma_wait3A_260 : memref<1x1024xf32, #tpu.memory_space<vmem>> -> memref<1024xf32, #tpu.memory_space<vmem>>
    %dma_wait3A_262 = tpu.memref_slice %arg3[%dma_wait3A_258, %mul3A_2] : memref<16x32768xf32, #tpu.memory_space<hbm>> -> memref<1x1024xf32, #tpu.memory_space<hbm>>
    %dma_wait3A_263 = tpu.memref_squeeze %dma_wait3A_262 : memref<1x1024xf32, #tpu.memory_space<hbm>> -> memref<1024xf32, #tpu.memory_space<hbm>>
    %dma_wait3A_264 = tpu.memref_slice %arg3[%dma_wait3A_258, %mul3A_2] : memref<16x32768xf32, #tpu.memory_space<hbm>> -> memref<1x1024xf32, #tpu.memory_space<hbm>>
    %dma_wait3A_265 = tpu.memref_squeeze %dma_wait3A_264 : memref<1x1024xf32, #tpu.memory_space<hbm>> -> memref<1024xf32, #tpu.memory_space<hbm>>
    %dma_wait3A_266 = arith.constant 0 : i32
    %dma_wait3A_267 = tpu.memref_slice %arg5[%dma_wait3A_257, %dma_wait3A_266] : memref<16x1024xf32, #tpu.memory_space<vmem>> -> memref<1x1024xf32, #tpu.memory_space<vmem>>
    %dma_wait3A_268 = tpu.memref_squeeze %dma_wait3A_267 : memref<1x1024xf32, #tpu.memory_space<vmem>> -> memref<1024xf32, #tpu.memory_space<vmem>>
    tpu.wait_dma2 semaphore(%arg6 : memref<!tpu.dma_semaphore, #tpu.memory_space<semaphore_mem>>) src(%dma_wait3A_268 : memref<1024xf32, #tpu.memory_space<vmem>>) dst(%dma_wait3A_265 : memref<1024xf32, #tpu.memory_space<hbm>>)
    %dma_wait3A_269 = arith.constant 6 : i32
    %dma_wait3A_270 = arith.constant 6 : i32
    %dma_wait3A_271 = arith.constant 0 : i32
    %dma_wait3A_272 = tpu.memref_slice %arg5[%dma_wait3A_269, %dma_wait3A_271] : memref<16x1024xf32, #tpu.memory_space<vmem>> -> memref<1x1024xf32, #tpu.memory_space<vmem>>
    %dma_wait3A_273 = tpu.memref_squeeze %dma_wait3A_272 : memref<1x1024xf32, #tpu.memory_space<vmem>> -> memref<1024xf32, #tpu.memory_space<vmem>>
    %dma_wait3A_274 = tpu.memref_slice %arg3[%dma_wait3A_270, %mul3A_2] : memref<16x32768xf32, #tpu.memory_space<hbm>> -> memref<1x1024xf32, #tpu.memory_space<hbm>>
    %dma_wait3A_275 = tpu.memref_squeeze %dma_wait3A_274 : memref<1x1024xf32, #tpu.memory_space<hbm>> -> memref<1024xf32, #tpu.memory_space<hbm>>
    %dma_wait3A_276 = tpu.memref_slice %arg3[%dma_wait3A_270, %mul3A_2] : memref<16x32768xf32, #tpu.memory_space<hbm>> -> memref<1x1024xf32, #tpu.memory_space<hbm>>
    %dma_wait3A_277 = tpu.memref_squeeze %dma_wait3A_276 : memref<1x1024xf32, #tpu.memory_space<hbm>> -> memref<1024xf32, #tpu.memory_space<hbm>>
    %dma_wait3A_278 = arith.constant 0 : i32
    %dma_wait3A_279 = tpu.memref_slice %arg5[%dma_wait3A_269, %dma_wait3A_278] : memref<16x1024xf32, #tpu.memory_space<vmem>> -> memref<1x1024xf32, #tpu.memory_space<vmem>>
    %dma_wait3A_280 = tpu.memref_squeeze %dma_wait3A_279 : memref<1x1024xf32, #tpu.memory_space<vmem>> -> memref<1024xf32, #tpu.memory_space<vmem>>
    tpu.wait_dma2 semaphore(%arg6 : memref<!tpu.dma_semaphore, #tpu.memory_space<semaphore_mem>>) src(%dma_wait3A_280 : memref<1024xf32, #tpu.memory_space<vmem>>) dst(%dma_wait3A_277 : memref<1024xf32, #tpu.memory_space<hbm>>)
    %dma_wait3A_281 = arith.constant 7 : i32
    %dma_wait3A_282 = arith.constant 7 : i32
    %dma_wait3A_283 = arith.constant 0 : i32
    %dma_wait3A_284 = tpu.memref_slice %arg5[%dma_wait3A_281, %dma_wait3A_283] : memref<16x1024xf32, #tpu.memory_space<vmem>> -> memref<1x1024xf32, #tpu.memory_space<vmem>>
    %dma_wait3A_285 = tpu.memref_squeeze %dma_wait3A_284 : memref<1x1024xf32, #tpu.memory_space<vmem>> -> memref<1024xf32, #tpu.memory_space<vmem>>
    %dma_wait3A_286 = tpu.memref_slice %arg3[%dma_wait3A_282, %mul3A_2] : memref<16x32768xf32, #tpu.memory_space<hbm>> -> memref<1x1024xf32, #tpu.memory_space<hbm>>
    %dma_wait3A_287 = tpu.memref_squeeze %dma_wait3A_286 : memref<1x1024xf32, #tpu.memory_space<hbm>> -> memref<1024xf32, #tpu.memory_space<hbm>>
    %dma_wait3A_288 = tpu.memref_slice %arg3[%dma_wait3A_282, %mul3A_2] : memref<16x32768xf32, #tpu.memory_space<hbm>> -> memref<1x1024xf32, #tpu.memory_space<hbm>>
    %dma_wait3A_289 = tpu.memref_squeeze %dma_wait3A_288 : memref<1x1024xf32, #tpu.memory_space<hbm>> -> memref<1024xf32, #tpu.memory_space<hbm>>
    %dma_wait3A_290 = arith.constant 0 : i32
    %dma_wait3A_291 = tpu.memref_slice %arg5[%dma_wait3A_281, %dma_wait3A_290] : memref<16x1024xf32, #tpu.memory_space<vmem>> -> memref<1x1024xf32, #tpu.memory_space<vmem>>
    %dma_wait3A_292 = tpu.memref_squeeze %dma_wait3A_291 : memref<1x1024xf32, #tpu.memory_space<vmem>> -> memref<1024xf32, #tpu.memory_space<vmem>>
    tpu.wait_dma2 semaphore(%arg6 : memref<!tpu.dma_semaphore, #tpu.memory_space<semaphore_mem>>) src(%dma_wait3A_292 : memref<1024xf32, #tpu.memory_space<vmem>>) dst(%dma_wait3A_289 : memref<1024xf32, #tpu.memory_space<hbm>>)
    %dma_wait3A_293 = arith.constant 8 : i32
    %dma_wait3A_294 = arith.constant 8 : i32
    %dma_wait3A_295 = arith.constant 0 : i32
    %dma_wait3A_296 = tpu.memref_slice %arg5[%dma_wait3A_293, %dma_wait3A_295] : memref<16x1024xf32, #tpu.memory_space<vmem>> -> memref<1x1024xf32, #tpu.memory_space<vmem>>
    %dma_wait3A_297 = tpu.memref_squeeze %dma_wait3A_296 : memref<1x1024xf32, #tpu.memory_space<vmem>> -> memref<1024xf32, #tpu.memory_space<vmem>>
    %dma_wait3A_298 = tpu.memref_slice %arg3[%dma_wait3A_294, %mul3A_2] : memref<16x32768xf32, #tpu.memory_space<hbm>> -> memref<1x1024xf32, #tpu.memory_space<hbm>>
    %dma_wait3A_299 = tpu.memref_squeeze %dma_wait3A_298 : memref<1x1024xf32, #tpu.memory_space<hbm>> -> memref<1024xf32, #tpu.memory_space<hbm>>
    %dma_wait3A_300 = tpu.memref_slice %arg3[%dma_wait3A_294, %mul3A_2] : memref<16x32768xf32, #tpu.memory_space<hbm>> -> memref<1x1024xf32, #tpu.memory_space<hbm>>
    %dma_wait3A_301 = tpu.memref_squeeze %dma_wait3A_300 : memref<1x1024xf32, #tpu.memory_space<hbm>> -> memref<1024xf32, #tpu.memory_space<hbm>>
    %dma_wait3A_302 = arith.constant 0 : i32
    %dma_wait3A_303 = tpu.memref_slice %arg5[%dma_wait3A_293, %dma_wait3A_302] : memref<16x1024xf32, #tpu.memory_space<vmem>> -> memref<1x1024xf32, #tpu.memory_space<vmem>>
    %dma_wait3A_304 = tpu.memref_squeeze %dma_wait3A_303 : memref<1x1024xf32, #tpu.memory_space<vmem>> -> memref<1024xf32, #tpu.memory_space<vmem>>
    tpu.wait_dma2 semaphore(%arg6 : memref<!tpu.dma_semaphore, #tpu.memory_space<semaphore_mem>>) src(%dma_wait3A_304 : memref<1024xf32, #tpu.memory_space<vmem>>) dst(%dma_wait3A_301 : memref<1024xf32, #tpu.memory_space<hbm>>)
    %dma_wait3A_305 = arith.constant 9 : i32
    %dma_wait3A_306 = arith.constant 9 : i32
    %dma_wait3A_307 = arith.constant 0 : i32
    %dma_wait3A_308 = tpu.memref_slice %arg5[%dma_wait3A_305, %dma_wait3A_307] : memref<16x1024xf32, #tpu.memory_space<vmem>> -> memref<1x1024xf32, #tpu.memory_space<vmem>>
    %dma_wait3A_309 = tpu.memref_squeeze %dma_wait3A_308 : memref<1x1024xf32, #tpu.memory_space<vmem>> -> memref<1024xf32, #tpu.memory_space<vmem>>
    %dma_wait3A_310 = tpu.memref_slice %arg3[%dma_wait3A_306, %mul3A_2] : memref<16x32768xf32, #tpu.memory_space<hbm>> -> memref<1x1024xf32, #tpu.memory_space<hbm>>
    %dma_wait3A_311 = tpu.memref_squeeze %dma_wait3A_310 : memref<1x1024xf32, #tpu.memory_space<hbm>> -> memref<1024xf32, #tpu.memory_space<hbm>>
    %dma_wait3A_312 = tpu.memref_slice %arg3[%dma_wait3A_306, %mul3A_2] : memref<16x32768xf32, #tpu.memory_space<hbm>> -> memref<1x1024xf32, #tpu.memory_space<hbm>>
    %dma_wait3A_313 = tpu.memref_squeeze %dma_wait3A_312 : memref<1x1024xf32, #tpu.memory_space<hbm>> -> memref<1024xf32, #tpu.memory_space<hbm>>
    %dma_wait3A_314 = arith.constant 0 : i32
    %dma_wait3A_315 = tpu.memref_slice %arg5[%dma_wait3A_305, %dma_wait3A_314] : memref<16x1024xf32, #tpu.memory_space<vmem>> -> memref<1x1024xf32, #tpu.memory_space<vmem>>
    %dma_wait3A_316 = tpu.memref_squeeze %dma_wait3A_315 : memref<1x1024xf32, #tpu.memory_space<vmem>> -> memref<1024xf32, #tpu.memory_space<vmem>>
    tpu.wait_dma2 semaphore(%arg6 : memref<!tpu.dma_semaphore, #tpu.memory_space<semaphore_mem>>) src(%dma_wait3A_316 : memref<1024xf32, #tpu.memory_space<vmem>>) dst(%dma_wait3A_313 : memref<1024xf32, #tpu.memory_space<hbm>>)
    %dma_wait3A_317 = arith.constant 10 : i32
    %dma_wait3A_318 = arith.constant 10 : i32
    %dma_wait3A_319 = arith.constant 0 : i32
    %dma_wait3A_320 = tpu.memref_slice %arg5[%dma_wait3A_317, %dma_wait3A_319] : memref<16x1024xf32, #tpu.memory_space<vmem>> -> memref<1x1024xf32, #tpu.memory_space<vmem>>
    %dma_wait3A_321 = tpu.memref_squeeze %dma_wait3A_320 : memref<1x1024xf32, #tpu.memory_space<vmem>> -> memref<1024xf32, #tpu.memory_space<vmem>>
    %dma_wait3A_322 = tpu.memref_slice %arg3[%dma_wait3A_318, %mul3A_2] : memref<16x32768xf32, #tpu.memory_space<hbm>> -> memref<1x1024xf32, #tpu.memory_space<hbm>>
    %dma_wait3A_323 = tpu.memref_squeeze %dma_wait3A_322 : memref<1x1024xf32, #tpu.memory_space<hbm>> -> memref<1024xf32, #tpu.memory_space<hbm>>
    %dma_wait3A_324 = tpu.memref_slice %arg3[%dma_wait3A_318, %mul3A_2] : memref<16x32768xf32, #tpu.memory_space<hbm>> -> memref<1x1024xf32, #tpu.memory_space<hbm>>
    %dma_wait3A_325 = tpu.memref_squeeze %dma_wait3A_324 : memref<1x1024xf32, #tpu.memory_space<hbm>> -> memref<1024xf32, #tpu.memory_space<hbm>>
    %dma_wait3A_326 = arith.constant 0 : i32
    %dma_wait3A_327 = tpu.memref_slice %arg5[%dma_wait3A_317, %dma_wait3A_326] : memref<16x1024xf32, #tpu.memory_space<vmem>> -> memref<1x1024xf32, #tpu.memory_space<vmem>>
    %dma_wait3A_328 = tpu.memref_squeeze %dma_wait3A_327 : memref<1x1024xf32, #tpu.memory_space<vmem>> -> memref<1024xf32, #tpu.memory_space<vmem>>
    tpu.wait_dma2 semaphore(%arg6 : memref<!tpu.dma_semaphore, #tpu.memory_space<semaphore_mem>>) src(%dma_wait3A_328 : memref<1024xf32, #tpu.memory_space<vmem>>) dst(%dma_wait3A_325 : memref<1024xf32, #tpu.memory_space<hbm>>)
    %dma_wait3A_329 = arith.constant 11 : i32
    %dma_wait3A_330 = arith.constant 11 : i32
    %dma_wait3A_331 = arith.constant 0 : i32
    %dma_wait3A_332 = tpu.memref_slice %arg5[%dma_wait3A_329, %dma_wait3A_331] : memref<16x1024xf32, #tpu.memory_space<vmem>> -> memref<1x1024xf32, #tpu.memory_space<vmem>>
    %dma_wait3A_333 = tpu.memref_squeeze %dma_wait3A_332 : memref<1x1024xf32, #tpu.memory_space<vmem>> -> memref<1024xf32, #tpu.memory_space<vmem>>
    %dma_wait3A_334 = tpu.memref_slice %arg3[%dma_wait3A_330, %mul3A_2] : memref<16x32768xf32, #tpu.memory_space<hbm>> -> memref<1x1024xf32, #tpu.memory_space<hbm>>
    %dma_wait3A_335 = tpu.memref_squeeze %dma_wait3A_334 : memref<1x1024xf32, #tpu.memory_space<hbm>> -> memref<1024xf32, #tpu.memory_space<hbm>>
    %dma_wait3A_336 = tpu.memref_slice %arg3[%dma_wait3A_330, %mul3A_2] : memref<16x32768xf32, #tpu.memory_space<hbm>> -> memref<1x1024xf32, #tpu.memory_space<hbm>>
    %dma_wait3A_337 = tpu.memref_squeeze %dma_wait3A_336 : memref<1x1024xf32, #tpu.memory_space<hbm>> -> memref<1024xf32, #tpu.memory_space<hbm>>
    %dma_wait3A_338 = arith.constant 0 : i32
    %dma_wait3A_339 = tpu.memref_slice %arg5[%dma_wait3A_329, %dma_wait3A_338] : memref<16x1024xf32, #tpu.memory_space<vmem>> -> memref<1x1024xf32, #tpu.memory_space<vmem>>
    %dma_wait3A_340 = tpu.memref_squeeze %dma_wait3A_339 : memref<1x1024xf32, #tpu.memory_space<vmem>> -> memref<1024xf32, #tpu.memory_space<vmem>>
    tpu.wait_dma2 semaphore(%arg6 : memref<!tpu.dma_semaphore, #tpu.memory_space<semaphore_mem>>) src(%dma_wait3A_340 : memref<1024xf32, #tpu.memory_space<vmem>>) dst(%dma_wait3A_337 : memref<1024xf32, #tpu.memory_space<hbm>>)
    %dma_wait3A_341 = arith.constant 12 : i32
    %dma_wait3A_342 = arith.constant 12 : i32
    %dma_wait3A_343 = arith.constant 0 : i32
    %dma_wait3A_344 = tpu.memref_slice %arg5[%dma_wait3A_341, %dma_wait3A_343] : memref<16x1024xf32, #tpu.memory_space<vmem>> -> memref<1x1024xf32, #tpu.memory_space<vmem>>
    %dma_wait3A_345 = tpu.memref_squeeze %dma_wait3A_344 : memref<1x1024xf32, #tpu.memory_space<vmem>> -> memref<1024xf32, #tpu.memory_space<vmem>>
    %dma_wait3A_346 = tpu.memref_slice %arg3[%dma_wait3A_342, %mul3A_2] : memref<16x32768xf32, #tpu.memory_space<hbm>> -> memref<1x1024xf32, #tpu.memory_space<hbm>>
    %dma_wait3A_347 = tpu.memref_squeeze %dma_wait3A_346 : memref<1x1024xf32, #tpu.memory_space<hbm>> -> memref<1024xf32, #tpu.memory_space<hbm>>
    %dma_wait3A_348 = tpu.memref_slice %arg3[%dma_wait3A_342, %mul3A_2] : memref<16x32768xf32, #tpu.memory_space<hbm>> -> memref<1x1024xf32, #tpu.memory_space<hbm>>
    %dma_wait3A_349 = tpu.memref_squeeze %dma_wait3A_348 : memref<1x1024xf32, #tpu.memory_space<hbm>> -> memref<1024xf32, #tpu.memory_space<hbm>>
    %dma_wait3A_350 = arith.constant 0 : i32
    %dma_wait3A_351 = tpu.memref_slice %arg5[%dma_wait3A_341, %dma_wait3A_350] : memref<16x1024xf32, #tpu.memory_space<vmem>> -> memref<1x1024xf32, #tpu.memory_space<vmem>>
    %dma_wait3A_352 = tpu.memref_squeeze %dma_wait3A_351 : memref<1x1024xf32, #tpu.memory_space<vmem>> -> memref<1024xf32, #tpu.memory_space<vmem>>
    tpu.wait_dma2 semaphore(%arg6 : memref<!tpu.dma_semaphore, #tpu.memory_space<semaphore_mem>>) src(%dma_wait3A_352 : memref<1024xf32, #tpu.memory_space<vmem>>) dst(%dma_wait3A_349 : memref<1024xf32, #tpu.memory_space<hbm>>)
    %dma_wait3A_353 = arith.constant 13 : i32
    %dma_wait3A_354 = arith.constant 13 : i32
    %dma_wait3A_355 = arith.constant 0 : i32
    %dma_wait3A_356 = tpu.memref_slice %arg5[%dma_wait3A_353, %dma_wait3A_355] : memref<16x1024xf32, #tpu.memory_space<vmem>> -> memref<1x1024xf32, #tpu.memory_space<vmem>>
    %dma_wait3A_357 = tpu.memref_squeeze %dma_wait3A_356 : memref<1x1024xf32, #tpu.memory_space<vmem>> -> memref<1024xf32, #tpu.memory_space<vmem>>
    %dma_wait3A_358 = tpu.memref_slice %arg3[%dma_wait3A_354, %mul3A_2] : memref<16x32768xf32, #tpu.memory_space<hbm>> -> memref<1x1024xf32, #tpu.memory_space<hbm>>
    %dma_wait3A_359 = tpu.memref_squeeze %dma_wait3A_358 : memref<1x1024xf32, #tpu.memory_space<hbm>> -> memref<1024xf32, #tpu.memory_space<hbm>>
    %dma_wait3A_360 = tpu.memref_slice %arg3[%dma_wait3A_354, %mul3A_2] : memref<16x32768xf32, #tpu.memory_space<hbm>> -> memref<1x1024xf32, #tpu.memory_space<hbm>>
    %dma_wait3A_361 = tpu.memref_squeeze %dma_wait3A_360 : memref<1x1024xf32, #tpu.memory_space<hbm>> -> memref<1024xf32, #tpu.memory_space<hbm>>
    %dma_wait3A_362 = arith.constant 0 : i32
    %dma_wait3A_363 = tpu.memref_slice %arg5[%dma_wait3A_353, %dma_wait3A_362] : memref<16x1024xf32, #tpu.memory_space<vmem>> -> memref<1x1024xf32, #tpu.memory_space<vmem>>
    %dma_wait3A_364 = tpu.memref_squeeze %dma_wait3A_363 : memref<1x1024xf32, #tpu.memory_space<vmem>> -> memref<1024xf32, #tpu.memory_space<vmem>>
    tpu.wait_dma2 semaphore(%arg6 : memref<!tpu.dma_semaphore, #tpu.memory_space<semaphore_mem>>) src(%dma_wait3A_364 : memref<1024xf32, #tpu.memory_space<vmem>>) dst(%dma_wait3A_361 : memref<1024xf32, #tpu.memory_space<hbm>>)
    %dma_wait3A_365 = arith.constant 14 : i32
    %dma_wait3A_366 = arith.constant 14 : i32
    %dma_wait3A_367 = arith.constant 0 : i32
    %dma_wait3A_368 = tpu.memref_slice %arg5[%dma_wait3A_365, %dma_wait3A_367] : memref<16x1024xf32, #tpu.memory_space<vmem>> -> memref<1x1024xf32, #tpu.memory_space<vmem>>
    %dma_wait3A_369 = tpu.memref_squeeze %dma_wait3A_368 : memref<1x1024xf32, #tpu.memory_space<vmem>> -> memref<1024xf32, #tpu.memory_space<vmem>>
    %dma_wait3A_370 = tpu.memref_slice %arg3[%dma_wait3A_366, %mul3A_2] : memref<16x32768xf32, #tpu.memory_space<hbm>> -> memref<1x1024xf32, #tpu.memory_space<hbm>>
    %dma_wait3A_371 = tpu.memref_squeeze %dma_wait3A_370 : memref<1x1024xf32, #tpu.memory_space<hbm>> -> memref<1024xf32, #tpu.memory_space<hbm>>
    %dma_wait3A_372 = tpu.memref_slice %arg3[%dma_wait3A_366, %mul3A_2] : memref<16x32768xf32, #tpu.memory_space<hbm>> -> memref<1x1024xf32, #tpu.memory_space<hbm>>
    %dma_wait3A_373 = tpu.memref_squeeze %dma_wait3A_372 : memref<1x1024xf32, #tpu.memory_space<hbm>> -> memref<1024xf32, #tpu.memory_space<hbm>>
    %dma_wait3A_374 = arith.constant 0 : i32
    %dma_wait3A_375 = tpu.memref_slice %arg5[%dma_wait3A_365, %dma_wait3A_374] : memref<16x1024xf32, #tpu.memory_space<vmem>> -> memref<1x1024xf32, #tpu.memory_space<vmem>>
    %dma_wait3A_376 = tpu.memref_squeeze %dma_wait3A_375 : memref<1x1024xf32, #tpu.memory_space<vmem>> -> memref<1024xf32, #tpu.memory_space<vmem>>
    tpu.wait_dma2 semaphore(%arg6 : memref<!tpu.dma_semaphore, #tpu.memory_space<semaphore_mem>>) src(%dma_wait3A_376 : memref<1024xf32, #tpu.memory_space<vmem>>) dst(%dma_wait3A_373 : memref<1024xf32, #tpu.memory_space<hbm>>)
    %dma_wait3A_377 = arith.constant 15 : i32
    %dma_wait3A_378 = arith.constant 15 : i32
    %dma_wait3A_379 = arith.constant 0 : i32
    %dma_wait3A_380 = tpu.memref_slice %arg5[%dma_wait3A_377, %dma_wait3A_379] : memref<16x1024xf32, #tpu.memory_space<vmem>> -> memref<1x1024xf32, #tpu.memory_space<vmem>>
    %dma_wait3A_381 = tpu.memref_squeeze %dma_wait3A_380 : memref<1x1024xf32, #tpu.memory_space<vmem>> -> memref<1024xf32, #tpu.memory_space<vmem>>
    %dma_wait3A_382 = tpu.memref_slice %arg3[%dma_wait3A_378, %mul3A_2] : memref<16x32768xf32, #tpu.memory_space<hbm>> -> memref<1x1024xf32, #tpu.memory_space<hbm>>
    %dma_wait3A_383 = tpu.memref_squeeze %dma_wait3A_382 : memref<1x1024xf32, #tpu.memory_space<hbm>> -> memref<1024xf32, #tpu.memory_space<hbm>>
    %dma_wait3A_384 = tpu.memref_slice %arg3[%dma_wait3A_378, %mul3A_2] : memref<16x32768xf32, #tpu.memory_space<hbm>> -> memref<1x1024xf32, #tpu.memory_space<hbm>>
    %dma_wait3A_385 = tpu.memref_squeeze %dma_wait3A_384 : memref<1x1024xf32, #tpu.memory_space<hbm>> -> memref<1024xf32, #tpu.memory_space<hbm>>
    %dma_wait3A_386 = arith.constant 0 : i32
    %dma_wait3A_387 = tpu.memref_slice %arg5[%dma_wait3A_377, %dma_wait3A_386] : memref<16x1024xf32, #tpu.memory_space<vmem>> -> memref<1x1024xf32, #tpu.memory_space<vmem>>
    %dma_wait3A_388 = tpu.memref_squeeze %dma_wait3A_387 : memref<1x1024xf32, #tpu.memory_space<vmem>> -> memref<1024xf32, #tpu.memory_space<vmem>>
    tpu.wait_dma2 semaphore(%arg6 : memref<!tpu.dma_semaphore, #tpu.memory_space<semaphore_mem>>) src(%dma_wait3A_388 : memref<1024xf32, #tpu.memory_space<vmem>>) dst(%dma_wait3A_385 : memref<1024xf32, #tpu.memory_space<hbm>>)
    return
  }
}

</mosaic_0001>

<sc_bundles>
// kernel: _sc_onehot.3.cloned.1.call-start
scs
__scs_entry_jumppad:
0x0: {  	(pc) =	sbr.rel $0x88, $3  }
0x1: {  	(tag) =	ssettag $0x0;
	lr =	simm.s32 $0x1  }
0x2: {  	[smem:$0x3FA0] =	sst lr;
	_ =	strace $0xD0000000  }
0x3: {  	_ = 	snop  }
0x4: {  	_ = 	snop  }
0x5: {  	_ = 	snop  }
0x6: {  	_ = 	snop  }
0x7: {  	_ = 	snop  }
__scs_overlays_trampoline_lowered:
0x8: {  	[smem:$0x3FAF] =	sst s0  }
0x9: {  	[smem:$0x3FB0] =	sst s1  }
0xa: {  	[smem:$0x3FB1] =	sst s2  }
0xb: {  	[smem:$0x3FB2] =	sst s3  }
0xc: {  	[smem:$0x3FB3] =	sst s4  }
0xd: {  	[smem:$0x3FB4] =	sst s5  }
0xe: {  	[smem:$0x3FB5] =	sst s6  }
0xf: {  	[smem:$0x3FB6] =	sst s7  }
0x10: {  	[smem:$0x3FB7] =	sst s8  }
0x11: {  	[smem:$0x3FB8] =	sst s9;
	s0 =	simm.s32 @!p0 $0x0  }
0x12: {  	s1 =	sld [smem:$0x3F9E];
	s0 =	simm.s32 @p0 $0x1  }
0x13: {  	[smem:$0x3FB9] =	sst s0;
	s0 =	simm.s32 @!p1 $0x0  }
0x14: {  	s2 =	sld [smem:$0x3F9D];
	s0 =	simm.s32 @p1 $0x1  }
0x15: {  	[smem:$0x3FBA] =	sst s0;
	s0 =	simm.s32 @!p2 $0x0  }
0x16: {  	s3 =	sld [smem:$0x3FDB];
	s0 =	simm.s32 @p2 $0x1  }
0x17: {  	s4 =	simm.s32 $0x1BF5;
	[smem:$0x3FBC] =	sst s0  }
0x18: {  	s0 =	sld [smem:$0x3F9F];
	_ =	swait.ge [sflag:s4], $0x0  }
0x19: {  	s7 =	sld [smem:$0x3FA0]  }
0x1a: {  	s8 =	sadd.s32 $0xFFFFE003, lr  }
0x1b: {  	s9 =	sadd.s32 $0xFFFFFEF7, lr;
	s5 =	simm.s32 $0xFFFFFFFF;
	p2 =	slt.u32 s8, $0xFFFFF086  }
0x1c: {  	p1 =	slt.u32 s9, $0xF7A;
	s5 =	simm.s32 @!p2 $0x0  }
0x1d: {  	s5 =	simm.s32 @p1 $0x1;
	p0 =	seq.s32 s7, s2  }
0x1e: {  	s7 =	smul.u32 @!p0 $0xF7A, s2;
	p2 =	seq.s32 @!p0 s5, $0x0  }
0x1f: {  	s9 =	smul.u32 $0xF7A, s1;
	s8 =	simm.s32 @!p0 $0x1BF5;
	p2 =	por !p2, p0  }
0x20: {  	[sflag:s8] =	ssyncset.s32 @!p0 $0xFFFFF086;
	s6 =	sadd.s32 @!p0 s3, s7;
	s7 =	simm.s32 @!p0 $0x108  }
0x21: {  	s3 =	sadd.s32 s3, s9;
	s6 =	sadd.s32 @!p0 $0x88, s6;
	s7 =	simm.s32 @p2 $0x1082  }
0x22: {  	[simem:s7], [sflag:s8] =	dma.local @!p0 [hbm:s6], $0xF7A  }
0x23: {  	s9 =	sor.u32 $0xD0000000, s2;
	s6 =	simm.s32 $0x108;
	_ =	swait.ge @!p0 [sflag:s8], $0x0  }
0x24: {  	s3 =	sadd.s32 $0x88, s3;
	s6 =	simm.s32 @!p1 $0x1082;
	[sflag:s4] =	ssyncset.s32 $0xFFFFF086  }
0x25: {  	[simem:s6], [sflag:s4] =	dma.local [hbm:s3], $0xF7A  }
0x26: {  	[smem:$0x3FA0] =	sst s1;
	(tag) =	ssettag s2;
	_ =	strace s9  }
0x27: {  	s1 =	sld [smem:$0x3FB0]  }
0x28: {  	s2 =	sld [smem:$0x3FB1]  }
0x29: {  	s4 =	sld [smem:$0x3FB3]  }
0x2a: {  	p0 =	seq.s32 s5, $0x0;
	s5 =	sld [smem:$0x3FB4]  }
0x2b: {  	s6 =	sld [smem:$0x3FB5]  }
0x2c: {  	s7 =	sld [smem:$0x3FB6]  }
0x2d: {  	s3 =	simm.s32 $0x108;
	s8 =	sld [smem:$0x3FB7]  }
0x2e: {  	s3 =	simm.s32 @!p0 $0x1082;
	s9 =	sld [smem:$0x3FB8]  }
0x2f: {  	lr =	sadd.s32 s0, s3;
	s0 =	sld [smem:$0x3FAF]  }
0x30: {  	s3 =	sld [smem:$0x3FB2]  }
0x31: {  	[smem:$0x3FBB] =	sst s10  }
0x32: {  	s10 =	sld [smem:$0x3FB9];
	_ =	sdelay $0x3  }
0x33: {  	p0 =	seq.s32 s10, $0x1;
	s10 =	sld [smem:$0x3FBB];
	_ =	sdelay $0x3  }
0x34: {  	[smem:$0x3FBB] =	sst s10  }
0x35: {  	s10 =	sld [smem:$0x3FBA];
	_ =	sdelay $0x3  }
0x36: {  	p1 =	seq.s32 s10, $0x1;
	s10 =	sld [smem:$0x3FBB];
	_ =	sdelay $0x3  }
0x37: {  	[smem:$0x3FBB] =	sst s10  }
0x38: {  	s10 =	sld [smem:$0x3FBC]  }
0x39: {  	_ = 	snop;
	(pc) =	sbr.ind lr, $3  }
0x3a: {  	_ = 	snop  }
0x3b: {  	_ = 	snop  }
0x3c: {  	p2 =	seq.s32 s10, $0x1;
	s10 =	sld [smem:$0x3FBB]  }
0x3d: {  	_ =	shalt  }
0x3e: {  	_ =	shalt  }
0x3f: {  	_ =	shalt  }
0x40: {  	_ =	shalt  }
0x41: {  	_ =	shalt  }
0x42: {  	_ =	shalt  }
0x43: {  	_ =	shalt  }
0x44: {  	_ =	shalt  }
0x45: {  	_ =	shalt  }
0x46: {  	_ =	shalt  }
0x47: {  	_ =	shalt  }
0x48: {  	_ =	shalt  }
0x49: {  	_ =	shalt  }
0x4a: {  	_ =	shalt  }
0x4b: {  	_ =	shalt  }
0x4c: {  	_ =	shalt  }
0x4d: {  	_ =	shalt  }
0x4e: {  	_ =	shalt  }
0x4f: {  	_ =	shalt  }
0x50: {  	_ =	shalt  }
0x51: {  	_ =	shalt  }
0x52: {  	_ =	shalt  }
0x53: {  	_ =	shalt  }
0x54: {  	_ =	shalt  }
0x55: {  	_ =	shalt  }
0x56: {  	_ =	shalt  }
0x57: {  	_ =	shalt  }
0x58: {  	_ =	shalt  }
0x59: {  	_ =	shalt  }
0x5a: {  	_ =	shalt  }
0x5b: {  	_ =	shalt  }
0x5c: {  	_ =	shalt  }
0x5d: {  	_ =	shalt  }
0x5e: {  	_ =	shalt  }
0x5f: {  	_ =	shalt  }
0x60: {  	_ =	shalt  }
0x61: {  	_ =	shalt  }
0x62: {  	_ =	shalt  }
0x63: {  	_ =	shalt  }
0x64: {  	_ =	shalt  }
0x65: {  	_ =	shalt  }
0x66: {  	_ =	shalt  }
0x67: {  	_ =	shalt  }
0x68: {  	_ =	shalt  }
0x69: {  	_ =	shalt  }
0x6a: {  	_ =	shalt  }
0x6b: {  	_ =	shalt  }
0x6c: {  	_ =	shalt  }
0x6d: {  	_ =	shalt  }
0x6e: {  	_ =	shalt  }
0x6f: {  	_ =	shalt  }
0x70: {  	_ =	shalt  }
0x71: {  	_ =	shalt  }
0x72: {  	_ =	shalt  }
0x73: {  	_ =	shalt  }
0x74: {  	_ =	shalt  }
0x75: {  	_ =	shalt  }
0x76: {  	_ =	shalt  }
0x77: {  	_ =	shalt  }
0x78: {  	_ =	shalt  }
0x79: {  	_ =	shalt  }
0x7a: {  	_ =	shalt  }
0x7b: {  	_ =	shalt  }
0x7c: {  	_ =	shalt  }
0x7d: {  	_ =	shalt  }
0x7e: {  	_ =	shalt  }
0x7f: {  	_ =	shalt  }
0x80: {  	_ =	shalt  }
0x81: {  	_ =	shalt  }
0x82: {  	_ =	shalt  }
0x83: {  	_ =	shalt  }
0x84: {  	_ =	shalt  }
0x85: {  	_ =	shalt  }
0x86: {  	_ =	shalt  }
0x87: {  	_ =	shalt  }
.Lfunc_end0:
.L_simem_size_0:
called_computation_lowered:
.L_overlay_start_0:
0x88: {  	s2 =	sld [smem:$0x3FD9]  }
0x89: {  	s3 =	sld [smem:$0x3FFE];
	_ =	sdelay $0x1  }
0x8a: {  	s1 =	srdreg.scid  }
0x8b: {  	s0 =	sand.u32 $0x1, s1  }
0x8c: {  	s18 =	sshll.u32 s0, $0xA;
	s2 =	sadd.s32 s3, s2  }
0x8d: {  	s2 =	sadd.s32 s2, s18  }
0x8e: {  	[smem:$0x3FC7] =	sst s2  }
0x8f: {  	_ = 	snop  }
0x90: {  	s2 =	sld [smem:$0x3FC9]  }
0x91: {  	s19 =	sld [smem:$0x3FD0];
	(tm) =	ssettm $0x1  }
0x92: {  	s4 =	sld [smem:$0x3FFB];
	_ =	sdelay $0x3  }
0x93: {  	_ =	strace s4  }
0x94: {  	s4 =	sld [smem:$0x3FFC];
	_ =	sdelay $0x3  }
0x95: {  	_ =	strace s4  }
0x96: {  	s4 =	sld [smem:$0x3FFD];
	_ =	sdelay $0x3  }
0x97: {  	_ =	strace s4  }
0x98: {  	_ =	strace $0x8FFFFFFF  }
0x99: {  	s20 =	sld [smem:$0x3FDB];
	_ =	sdelay $0x1  }
0x9a: {  	s5 =	simm.s32 $_scs_section_size  }
0x9b: {  	s6 =	simm.s32 $_size__tile_overlayer_lowered;
	s7 =	simm.s32 $_tile_overlayer_lowered  }
0x9c: {  	s23 =	simm.s32 $0x1BFF;
	s22 =	sshll.u32 s7, $0x1;
	s4 =	sadd.s32 s5, s20  }
0x9d: {  	s8 =	simm.s32 $0x0;
	s21 =	sshll.u32 s6, $0x1;
	s6 =	sadd.s32 s22, s4  }
0x9e: {  	[timem:s8], [sflag:s23] =	dma.local [hbm:s6], s21  }
0x9f: {  	_ =	swait.ge [sflag:s23], s21  }
0xa0: {  	s5 =	ssub.s32 $0x0, s21;
	[sflag:s23] =	ssyncset.done $0x0  }
0xa1: {  	[sflag:s23] =	ssyncadd.s32 s5;
	_ =	sdelay $0x1  }
0xa2: {  	s24 =	simm.s32 $0x1B8B  }
0xa3: {  	_ =	swait.ge [sflag:s24], $0x1  }
0xa4: {  	[sflag:s24] =	ssyncset.done $0x0  }
0xa5: {  	s25 =	simm.s32 $0x1B8E;
	[sflag:s24] =	ssyncadd.s32 $0xFFFFFFFF  }
0xa6: {  	s26 =	simm.s32 $execute0_lowered;
	[smem:$0x3FD2] =	sst s25  }
0xa7: {  	s5 =	sshll.u32 s26, $0x1;
	_ =	strace $0x80000046;
	[dreg:$0x1] =	wrdreg $0xFFFFFFFF  }
0xa8: {  	s28 =	simm.s32 $_size_execute0_lowered;
	s4 =	sadd.s32 s4, s5;
	[dreg:$0x0] =	wrdreg $0x0  }
0xa9: {  	s5 =	sshll.u32 s28, $0x1;
	[dreg:$0x2] =	wrdreg s4  }
0xaa: {  	[dreg:$0x3] =	wrdreg s5  }
0xab: {  	[dreg:$0x4] =	wrdreg $0xC0  }
0xac: {  	_ =	task [dreg:s8], $0x5FFFF  }
0xad: {  	[dreg:$0x1] =	wrdreg $0xFFFFFFFF  }
0xae: {  	[dreg:$0x0] =	wrdreg $0x60  }
0xaf: {  	[dreg:$0x2] =	wrdreg s2  }
0xb0: {  	[dreg:$0x3] =	wrdreg s19  }
0xb1: {  	[dreg:$0x4] =	wrdreg $0x9  }
0xb2: {  	_ =	task.clear_ibuf [dreg:s8], $0x5FFFF;
	_ =	strace $0x90000046  }
0xb3: {  	s29 =	simm.s32 $0x9;
	_ =	strace $0x80000048  }
0xb4: {  	_ =	swait.ge [sflag:s29], $0x1  }
0xb5: {  	[sflag:s29] =	ssyncadd.s32 $0xFFFFFFFF  }
0xb6: {  	_ =	strace $0x90000048  }
0xb7: {  	_ =	sfence  }
0xb8: {  	s30 =	sld [smem:$0x0];
	_ =	sdelay $0x2  }
0xb9: {  	s31 =	sshll.u32 s1, $0xD;
	s1 =	sshrl.u32 s1, $0x2  }
0xba: {  	s3 =	sand.u32 $0x4000, s31;
	s1 =	sadd.s32 s1, s30  }
0xbb: {  	s0 =	sor.u32 s3, s0;
	s1 =	sshll.u32 s1, $0x11  }
0xbc: {  	s0 =	sor.u32 s1, s0  }
0xbd: {  	s0 =	sadd.s32 $0x8F2B, s0  }
0xbe: {  	[sflag:s0] =	ssyncadd.remote.s32 $0x1  }
0xbf: {  	_ =	sfence.sel $0xFFFF  }
0xc0: {  	[dreg:$0x0] =	wrdreg $0xFFFFFFFF;
	(pc) =	sbr.abs _section_cstart, $3  }
0xc1: {  	[dreg:$0x1] =	wrdreg $0xFFFFFFFF  }
0xc2: {  	_ =	task.clear_ibuf [dreg:s8], $0x2FFFF;
	_ =	strace $0x9FFFFFFF  }
0xc3: {  	(tm) =	ssettm $0x7FFFFFFF  }
tec
execute0_lowered:
.L_overlay_start_1:
0x0: {  	(tag) =	ssettag $0x1  }
0x1: {  	s0 =	rddreg [dreg:$0x0]  }
0x2: {  	s1 =	rddreg [dreg:$0x1]  }
0x3: {  	s2 =	srdreg.scid;
	s4 =	stileid.u32  }
0x4: {  	s21 =	simm.s32 $0x2;
	s29 =	simm.s32 $0x4380;
	s30 =	simm.s32 $0x1  }
0x5: {  	s31 =	simm.s32 $0x0;
	s3 =	sand.u32 $0x1, s2;
	s2 =	simm.s32 $0x0  }
0x6: {  	s4 =	sshll.u32 s4, $0xB;
	s5 =	sshll.u32 s3, $0xA;
	[smem:$0x7FF] =	sst s2  }
0x7: {  	s3 =	ssub.s32 $0x2, s3;
	s4 =	sor.u32 s5, s4;
	_ =	strace $0x80000047  }
0x8: {  	s28 =	sshrl.u32 s3, $0x1;
	s6 =	sshrl.u32 s4, $0x3;
	s4 =	sadd.s32 s1, s4  }
0x9: {  	s20 =	ssub.s32 s3, s28;
	s3 =	sadd.s32 s0, s6;
	s5 =	sadd.s32 $0x10, s4  }
0xa: {  	s6 =	sadd.s32 $0x20, s4;
	s7 =	sadd.s32 $0x30, s4;
	s8 =	sadd.s32 $0x40, s4  }
0xb: {  	s9 =	sadd.s32 $0x50, s4;
	s10 =	sadd.s32 $0x60, s4;
	s11 =	sadd.s32 $0x70, s4  }
0xc: {  	s12 =	sadd.s32 $0x8000, s4;
	s13 =	sadd.s32 $0x8010, s4;
	s14 =	sadd.s32 $0x8020, s4  }
0xd: {  	s15 =	sadd.s32 $0x8030, s4;
	s16 =	sadd.s32 $0x8040, s4;
	s17 =	sadd.s32 $0x8050, s4  }
0xe: {  	v0 =	vimm.f32 $0.0e+00;
	s18 =	sadd.s32 $0x8060, s4;
	s19 =	sadd.s32 $0x8070, s4;
	s20 =	smax.u32 s20, $0x1  }
.LBB2_1:
0xf: {  	[tilespmem:s2], [sflag:$0x2] =	stream.linear.gather [hbm4b:s3+s2], $0x400, $0x38;
	[tilespmem:$0x4400] =	vst v63  }
0x10: {  	_ =	swait.ge [sflag:s21], $0x400  }
0x11: {  	[sflag:s21] =	ssyncset.done $0x0  }
0x12: {  	[sflag:s21] =	ssyncadd.s32 $0xFFFFFC00  }
0x13: {  	v1 =	vld [tilespmem:s2+$0x0];
	_ =	sdelay $0x4  }
0x14: {  	s0 =	sand.u32 $0x70, s2;
	s1 =	sand.u32 $0x1C00, s2;
	vm0 =	veq.s32 v1, $0x0;
	vm1 =	veq.s32 v1, $0x1;
	vm2 =	veq.s32 v1, $0x6  }
0x15: {  	s0 =	sor.u32 s0, s1;
	v2 =	vsel vm0, $0x3F800000, v0;
	v3 =	vsel vm1, $0x3F800000, v0;
	vm0 =	veq.s32 v1, $0x3  }
0x16: {  	s22 =	simm.s32 $0x10;
	vm1 =	veq.s32 v1, $0x2;
	[tilespmem:s0+$0x400] =	vst v2;
	v4 =	vsel vm0, $0x3F800000, v0;
	v2 =	vsel vm2, $0x3F800000, v0  }
0x17: {  	s23 =	simm.s32 $0x0;
	s24 =	simm.s32 $0x0;
	s1 =	sor.u32 s2, s2;
	[tilespmem:s0+$0x480] =	vst v3;
	v3 =	vsel vm1, $0x3F800000, v0;
	vm1 =	veq.s32 v1, $0x4;
	vm0 =	veq.s32 v1, $0x5  }
.LBB2_2:
0x18: {  	p0 =	sne.s32 s22, $0x3F0;
	[tilespmem:s0+$0x580] =	vst v4;
	v4 =	vsel vm1, $0x3F800000, v0;
	v5 =	vsel vm0, $0x3F800000, v0;
	vm0 =	veq.s32 v1, $0x7;
	s23 =	sadd.s32 $0x80, s23;
	s24 =	sadd.s32 $0x10, s24  }
0x19: {  	vm1 =	veq.s32 v1, $0x8;
	vm2 =	veq.s32 v1, $0xA;
	vm3 =	veq.s32 v1, $0xF;
	s26 =	smov.u32 s22;
	s25 =	sor.u32 s23, s22;
	[tilespmem:s0+$0x500] =	vst v3;
	s22 =	sadd.s32 $0x10, s22  }
0x1a: {  	vm4 =	veq.s32 v1, $0x9;
	vm5 =	veq.s32 v1, $0xC;
	vm6 =	veq.s32 v1, $0xE;
	[tilespmem:s0+$0x700] =	vst v2  }
0x1b: {  	vm7 =	veq.s32 v1, $0xB;
	vm8 =	veq.s32 v1, $0xD;
	[tilespmem:s0+$0x600] =	vst v4  }
0x1c: {  	s28 =	sor.u32 $0x380, s1;
	v1 =	vsel vm0, $0x3F800000, v0;
	s1 =	smov.u32 s25;
	[tilespmem:s0+$0x680] =	vst v5  }
0x1d: {  	[tilespmem:s28+$0x400] =	vst v1;
	v1 =	vsel vm1, $0x3F800000, v0  }
0x1e: {  	[tilespmem:s0+$0x2400] =	vst v1;
	v1 =	vsel vm3, $0x3F800000, v0  }
0x1f: {  	v2 =	vsel vm2, $0x3F800000, v0;
	[tilespmem:s0+$0x2780] =	vst v1  }
0x20: {  	v1 =	vsel vm6, $0x3F800000, v0;
	[tilespmem:s0+$0x2500] =	vst v2  }
0x21: {  	v2 =	vsel vm4, $0x3F800000, v0;
	[tilespmem:s0+$0x2700] =	vst v1  }
0x22: {  	v1 =	vsel vm5, $0x3F800000, v0;
	[tilespmem:s0+$0x2480] =	vst v2;
	v2 =	vsel vm8, $0x3F800000, v0  }
0x23: {  	v3 =	vsel vm7, $0x3F800000, v0;
	[tilespmem:s0+$0x2600] =	vst v1  }
0x24: {  	[tilespmem:s0+$0x2680] =	vst v2  }
0x25: {  	[tilespmem:s0+$0x2580] =	vst v3  }
0x26: {  	v1 =	vld [tilespmem:s24+$0x0];
	_ =	sdelay $0x3  }
.Ltmp0:
0x27: {  	(pc) =	sbr.rel @p0 .LBB2_2-.Ltmp0, $4  }
0x28: {  	s25 =	sand.u32 $0x1C00, s23;
	s0 =	sand.u32 $0x70, s26;
	vm0 =	veq.s32 v1, $0x0;
	vm1 =	veq.s32 v1, $0x1;
	vm2 =	veq.s32 v1, $0x6  }
0x29: {  	s0 =	sor.u32 s0, s25;
	v2 =	vsel vm0, $0x3F800000, v0;
	v3 =	vsel vm1, $0x3F800000, v0;
	vm0 =	veq.s32 v1, $0x3  }
0x2a: {  	vm1 =	veq.s32 v1, $0x2;
	[tilespmem:s0+$0x400] =	vst v2;
	v4 =	vsel vm0, $0x3F800000, v0;
	v2 =	vsel vm2, $0x3F800000, v0  }
0x2b: {  	vm0 =	veq.s32 v1, $0x5;
	[tilespmem:s0+$0x480] =	vst v3;
	v3 =	vsel vm1, $0x3F800000, v0;
	vm1 =	veq.s32 v1, $0x4  }
0x2c: {  	[tilespmem:s0+$0x580] =	vst v4  }
0x2d: {  	[tilespmem:s0+$0x500] =	vst v3  }
0x2e: {  	v3 =	vsel vm1, $0x3F800000, v0;
	[tilespmem:s0+$0x700] =	vst v2  }
0x2f: {  	v2 =	vsel vm0, $0x3F800000, v0;
	vm7 =	veq.s32 v1, $0x7;
	[tilespmem:s0+$0x600] =	vst v3  }
0x30: {  	vm8 =	veq.s32 v1, $0x8;
	s1 =	sor.u32 $0x380, s1;
	vm9 =	veq.s32 v1, $0xF;
	[tilespmem:s0+$0x680] =	vst v2;
	v2 =	vsel vm7, $0x3F800000, v0  }
0x31: {  	vm10 =	veq.s32 v1, $0xA;
	vm11 =	veq.s32 v1, $0xE;
	[tilespmem:s1+$0x400] =	vst v2;
	v2 =	vsel vm8, $0x3F800000, v0  }
0x32: {  	vm12 =	veq.s32 v1, $0x9;
	vm14 =	veq.s32 v1, $0xD;
	v3 =	vsel vm10, $0x3F800000, v0;
	[tilespmem:s0+$0x2400] =	vst v2  }
0x33: {  	vm13 =	veq.s32 v1, $0xC;
	vm15 =	veq.s32 v1, $0xB;
	v1 =	vsel vm14, $0x3F800000, v0;
	[tilespmem:s0+$0x2500] =	vst v3  }
0x34: {  	v2 =	vsel vm9, $0x3F800000, v0;
	[tilespmem:s0+$0x2680] =	vst v1  }
0x35: {  	v3 =	vsel vm12, $0x3F800000, v0;
	[tilespmem:s0+$0x2780] =	vst v2  }
0x36: {  	v2 =	vsel vm11, $0x3F800000, v0;
	[tilespmem:s0+$0x2480] =	vst v3  }
0x37: {  	[tilespmem:s0+$0x2700] =	vst v2;
	v2 =	vsel vm13, $0x3F800000, v0  }
0x38: {  	[tilespmem:s0+$0x2600] =	vst v2;
	v2 =	vsel vm15, $0x3F800000, v0  }
0x39: {  	s1 =	simm.s32 $0x400;
	[tilespmem:s0+$0x2580] =	vst v2  }
0x3a: {  	[hbm4b:s4+s2] =	stream.linear.scatter [tilespmem:s1], [sflag:$0x1], $0x80, $0x38;
	[tilespmem:$0x4400] =	vst v63  }
0x3b: {  	s22 =	sadd.s32 $0x80, s4;
	s23 =	simm.s32 $0x800  }
0x3c: {  	[hbm4b:s22+s2] =	stream.linear.scatter [tilespmem:s23], [sflag:$0x1], $0x80, $0x38;
	[tilespmem:$0x4400] =	vst v63  }
0x3d: {  	s24 =	sadd.s32 $0x100, s4;
	s25 =	simm.s32 $0xC00  }
0x3e: {  	[hbm4b:s24+s2] =	stream.linear.scatter [tilespmem:s25], [sflag:$0x1], $0x80, $0x38;
	[tilespmem:$0x4400] =	vst v63  }
0x3f: {  	s26 =	sadd.s32 $0x180, s4;
	s28 =	simm.s32 $0x1000  }
0x40: {  	[hbm4b:s26+s2] =	stream.linear.scatter [tilespmem:s28], [sflag:$0x1], $0x80, $0x38;
	[tilespmem:$0x4400] =	vst v63  }
0x41: {  	s22 =	sadd.s32 $0x200, s4;
	s23 =	simm.s32 $0x1400  }
0x42: {  	[hbm4b:s22+s2] =	stream.linear.scatter [tilespmem:s23], [sflag:$0x1], $0x80, $0x38;
	[tilespmem:$0x4400] =	vst v63  }
0x43: {  	s24 =	sadd.s32 $0x280, s4;
	s25 =	simm.s32 $0x1800  }
0x44: {  	[hbm4b:s24+s2] =	stream.linear.scatter [tilespmem:s25], [sflag:$0x1], $0x80, $0x38;
	[tilespmem:$0x4400] =	vst v63  }
0x45: {  	s26 =	sadd.s32 $0x300, s4;
	s28 =	simm.s32 $0x1C00  }
0x46: {  	[hbm4b:s26+s2] =	stream.linear.scatter [tilespmem:s28], [sflag:$0x1], $0x80, $0x38;
	[tilespmem:$0x4400] =	vst v63  }
0x47: {  	s1 =	sadd.s32 $0x380, s4;
	s22 =	simm.s32 $0x2000  }
0x48: {  	[hbm4b:s1+s2] =	stream.linear.scatter [tilespmem:s22], [sflag:$0x1], $0x80, $0x38;
	[tilespmem:$0x4400] =	vst v63  }
0x49: {  	s23 =	simm.s32 $0x480  }
0x4a: {  	[hbm4b:s5+s2] =	stream.linear.scatter [tilespmem:s23], [sflag:$0x1], $0x80, $0x38;
	[tilespmem:$0x4400] =	vst v63  }
0x4b: {  	s24 =	sadd.s32 $0x80, s5;
	s25 =	simm.s32 $0x880  }
0x4c: {  	[hbm4b:s24+s2] =	stream.linear.scatter [tilespmem:s25], [sflag:$0x1], $0x80, $0x38;
	[tilespmem:$0x4400] =	vst v63  }
0x4d: {  	s26 =	sadd.s32 $0x100, s5;
	s28 =	simm.s32 $0xC80  }
0x4e: {  	[hbm4b:s26+s2] =	stream.linear.scatter [tilespmem:s28], [sflag:$0x1], $0x80, $0x38;
	[tilespmem:$0x4400] =	vst v63  }
0x4f: {  	s22 =	sadd.s32 $0x180, s5;
	s23 =	simm.s32 $0x1080  }
0x50: {  	[hbm4b:s22+s2] =	stream.linear.scatter [tilespmem:s23], [sflag:$0x1], $0x80, $0x38;
	[tilespmem:$0x4400] =	vst v63  }
0x51: {  	s24 =	sadd.s32 $0x200, s5;
	s25 =	simm.s32 $0x1480  }
0x52: {  	[hbm4b:s24+s2] =	stream.linear.scatter [tilespmem:s25], [sflag:$0x1], $0x80, $0x38;
	[tilespmem:$0x4400] =	vst v63  }
0x53: {  	s26 =	sadd.s32 $0x280, s5;
	s28 =	simm.s32 $0x1880  }
0x54: {  	[hbm4b:s26+s2] =	stream.linear.scatter [tilespmem:s28], [sflag:$0x1], $0x80, $0x38;
	[tilespmem:$0x4400] =	vst v63  }
0x55: {  	s1 =	sadd.s32 $0x300, s5;
	s22 =	simm.s32 $0x1C80  }
0x56: {  	[hbm4b:s1+s2] =	stream.linear.scatter [tilespmem:s22], [sflag:$0x1], $0x80, $0x38;
	[tilespmem:$0x4400] =	vst v63  }
0x57: {  	s23 =	sadd.s32 $0x380, s5;
	s24 =	simm.s32 $0x2080  }
0x58: {  	[hbm4b:s23+s2] =	stream.linear.scatter [tilespmem:s24], [sflag:$0x1], $0x80, $0x38;
	[tilespmem:$0x4400] =	vst v63  }
0x59: {  	s25 =	simm.s32 $0x500  }
0x5a: {  	[hbm4b:s6+s2] =	stream.linear.scatter [tilespmem:s25], [sflag:$0x1], $0x80, $0x38;
	[tilespmem:$0x4400] =	vst v63  }
0x5b: {  	s26 =	sadd.s32 $0x80, s6;
	s28 =	simm.s32 $0x900  }
0x5c: {  	[hbm4b:s26+s2] =	stream.linear.scatter [tilespmem:s28], [sflag:$0x1], $0x80, $0x38;
	[tilespmem:$0x4400] =	vst v63  }
0x5d: {  	s22 =	sadd.s32 $0x100, s6;
	s23 =	simm.s32 $0xD00  }
0x5e: {  	[hbm4b:s22+s2] =	stream.linear.scatter [tilespmem:s23], [sflag:$0x1], $0x80, $0x38;
	[tilespmem:$0x4400] =	vst v63  }
0x5f: {  	s24 =	sadd.s32 $0x180, s6;
	s25 =	simm.s32 $0x1100  }
0x60: {  	[hbm4b:s24+s2] =	stream.linear.scatter [tilespmem:s25], [sflag:$0x1], $0x80, $0x38;
	[tilespmem:$0x4400] =	vst v63  }
0x61: {  	s26 =	sadd.s32 $0x200, s6;
	s28 =	simm.s32 $0x1500  }
0x62: {  	[hbm4b:s26+s2] =	stream.linear.scatter [tilespmem:s28], [sflag:$0x1], $0x80, $0x38;
	[tilespmem:$0x4400] =	vst v63  }
0x63: {  	s22 =	sadd.s32 $0x280, s6;
	s23 =	simm.s32 $0x1900  }
0x64: {  	[hbm4b:s22+s2] =	stream.linear.scatter [tilespmem:s23], [sflag:$0x1], $0x80, $0x38;
	[tilespmem:$0x4400] =	vst v63  }
0x65: {  	s24 =	sadd.s32 $0x300, s6;
	s25 =	simm.s32 $0x1D00  }
0x66: {  	[hbm4b:s24+s2] =	stream.linear.scatter [tilespmem:s25], [sflag:$0x1], $0x80, $0x38;
	[tilespmem:$0x4400] =	vst v63  }
0x67: {  	s26 =	sadd.s32 $0x380, s6;
	s28 =	simm.s32 $0x2100  }
0x68: {  	[hbm4b:s26+s2] =	stream.linear.scatter [tilespmem:s28], [sflag:$0x1], $0x80, $0x38;
	[tilespmem:$0x4400] =	vst v63  }
0x69: {  	s1 =	simm.s32 $0x580  }
0x6a: {  	[hbm4b:s7+s2] =	stream.linear.scatter [tilespmem:s1], [sflag:$0x1], $0x80, $0x38;
	[tilespmem:$0x4400] =	vst v63  }
0x6b: {  	s22 =	sadd.s32 $0x80, s7;
	s23 =	simm.s32 $0x980  }
0x6c: {  	[hbm4b:s22+s2] =	stream.linear.scatter [tilespmem:s23], [sflag:$0x1], $0x80, $0x38;
	[tilespmem:$0x4400] =	vst v63  }
0x6d: {  	s24 =	sadd.s32 $0x100, s7;
	s25 =	simm.s32 $0xD80  }
0x6e: {  	[hbm4b:s24+s2] =	stream.linear.scatter [tilespmem:s25], [sflag:$0x1], $0x80, $0x38;
	[tilespmem:$0x4400] =	vst v63  }
0x6f: {  	s26 =	sadd.s32 $0x180, s7;
	s28 =	simm.s32 $0x1180  }
0x70: {  	[hbm4b:s26+s2] =	stream.linear.scatter [tilespmem:s28], [sflag:$0x1], $0x80, $0x38;
	[tilespmem:$0x4400] =	vst v63  }
0x71: {  	s22 =	sadd.s32 $0x200, s7;
	s23 =	simm.s32 $0x1580  }
0x72: {  	[hbm4b:s22+s2] =	stream.linear.scatter [tilespmem:s23], [sflag:$0x1], $0x80, $0x38;
	[tilespmem:$0x4400] =	vst v63  }
0x73: {  	s24 =	sadd.s32 $0x280, s7;
	s25 =	simm.s32 $0x1980  }
0x74: {  	[hbm4b:s24+s2] =	stream.linear.scatter [tilespmem:s25], [sflag:$0x1], $0x80, $0x38;
	[tilespmem:$0x4400] =	vst v63  }
0x75: {  	s26 =	sadd.s32 $0x300, s7;
	s28 =	simm.s32 $0x1D80  }
0x76: {  	[hbm4b:s26+s2] =	stream.linear.scatter [tilespmem:s28], [sflag:$0x1], $0x80, $0x38;
	[tilespmem:$0x4400] =	vst v63  }
0x77: {  	s1 =	sadd.s32 $0x380, s7;
	s22 =	simm.s32 $0x2180  }
0x78: {  	[hbm4b:s1+s2] =	stream.linear.scatter [tilespmem:s22], [sflag:$0x1], $0x80, $0x38;
	[tilespmem:$0x4400] =	vst v63  }
0x79: {  	s23 =	simm.s32 $0x600  }
0x7a: {  	[hbm4b:s8+s2] =	stream.linear.scatter [tilespmem:s23], [sflag:$0x1], $0x80, $0x38;
	[tilespmem:$0x4400] =	vst v63  }
0x7b: {  	s24 =	sadd.s32 $0x80, s8;
	s25 =	simm.s32 $0xA00  }
0x7c: {  	[hbm4b:s24+s2] =	stream.linear.scatter [tilespmem:s25], [sflag:$0x1], $0x80, $0x38;
	[tilespmem:$0x4400] =	vst v63  }
0x7d: {  	s26 =	sadd.s32 $0x100, s8;
	s28 =	simm.s32 $0xE00  }
0x7e: {  	[hbm4b:s26+s2] =	stream.linear.scatter [tilespmem:s28], [sflag:$0x1], $0x80, $0x38;
	[tilespmem:$0x4400] =	vst v63  }
0x7f: {  	s22 =	sadd.s32 $0x180, s8;
	s23 =	simm.s32 $0x1200  }
0x80: {  	[hbm4b:s22+s2] =	stream.linear.scatter [tilespmem:s23], [sflag:$0x1], $0x80, $0x38;
	[tilespmem:$0x4400] =	vst v63  }
0x81: {  	s24 =	sadd.s32 $0x200, s8;
	s25 =	simm.s32 $0x1600  }
0x82: {  	[hbm4b:s24+s2] =	stream.linear.scatter [tilespmem:s25], [sflag:$0x1], $0x80, $0x38;
	[tilespmem:$0x4400] =	vst v63  }
0x83: {  	s26 =	sadd.s32 $0x280, s8;
	s28 =	simm.s32 $0x1A00  }
0x84: {  	[hbm4b:s26+s2] =	stream.linear.scatter [tilespmem:s28], [sflag:$0x1], $0x80, $0x38;
	[tilespmem:$0x4400] =	vst v63  }
0x85: {  	s1 =	sadd.s32 $0x300, s8;
	s22 =	simm.s32 $0x1E00  }
0x86: {  	[hbm4b:s1+s2] =	stream.linear.scatter [tilespmem:s22], [sflag:$0x1], $0x80, $0x38;
	[tilespmem:$0x4400] =	vst v63  }
0x87: {  	s23 =	sadd.s32 $0x380, s8;
	s24 =	simm.s32 $0x2200  }
0x88: {  	[hbm4b:s23+s2] =	stream.linear.scatter [tilespmem:s24], [sflag:$0x1], $0x80, $0x38;
	[tilespmem:$0x4400] =	vst v63  }
0x89: {  	s25 =	simm.s32 $0x680  }
0x8a: {  	[hbm4b:s9+s2] =	stream.linear.scatter [tilespmem:s25], [sflag:$0x1], $0x80, $0x38;
	[tilespmem:$0x4400] =	vst v63  }
0x8b: {  	s26 =	sadd.s32 $0x80, s9;
	s28 =	simm.s32 $0xA80  }
0x8c: {  	[hbm4b:s26+s2] =	stream.linear.scatter [tilespmem:s28], [sflag:$0x1], $0x80, $0x38;
	[tilespmem:$0x4400] =	vst v63  }
0x8d: {  	s22 =	sadd.s32 $0x100, s9;
	s23 =	simm.s32 $0xE80  }
0x8e: {  	[hbm4b:s22+s2] =	stream.linear.scatter [tilespmem:s23], [sflag:$0x1], $0x80, $0x38;
	[tilespmem:$0x4400] =	vst v63  }
0x8f: {  	s24 =	sadd.s32 $0x180, s9;
	s25 =	simm.s32 $0x1280  }
0x90: {  	[hbm4b:s24+s2] =	stream.linear.scatter [tilespmem:s25], [sflag:$0x1], $0x80, $0x38;
	[tilespmem:$0x4400] =	vst v63  }
0x91: {  	s26 =	sadd.s32 $0x200, s9;
	s28 =	simm.s32 $0x1680  }
0x92: {  	[hbm4b:s26+s2] =	stream.linear.scatter [tilespmem:s28], [sflag:$0x1], $0x80, $0x38;
	[tilespmem:$0x4400] =	vst v63  }
0x93: {  	s22 =	sadd.s32 $0x280, s9;
	s23 =	simm.s32 $0x1A80  }
0x94: {  	[hbm4b:s22+s2] =	stream.linear.scatter [tilespmem:s23], [sflag:$0x1], $0x80, $0x38;
	[tilespmem:$0x4400] =	vst v63  }
0x95: {  	s24 =	sadd.s32 $0x300, s9;
	s25 =	simm.s32 $0x1E80  }
0x96: {  	[hbm4b:s24+s2] =	stream.linear.scatter [tilespmem:s25], [sflag:$0x1], $0x80, $0x38;
	[tilespmem:$0x4400] =	vst v63  }
0x97: {  	s26 =	sadd.s32 $0x380, s9;
	s28 =	simm.s32 $0x2280  }
0x98: {  	[hbm4b:s26+s2] =	stream.linear.scatter [tilespmem:s28], [sflag:$0x1], $0x80, $0x38;
	[tilespmem:$0x4400] =	vst v63  }
0x99: {  	s1 =	simm.s32 $0x700  }
0x9a: {  	[hbm4b:s10+s2] =	stream.linear.scatter [tilespmem:s1], [sflag:$0x1], $0x80, $0x38;
	[tilespmem:$0x4400] =	vst v63  }
0x9b: {  	s22 =	sadd.s32 $0x80, s10;
	s23 =	simm.s32 $0xB00  }
0x9c: {  	[hbm4b:s22+s2] =	stream.linear.scatter [tilespmem:s23], [sflag:$0x1], $0x80, $0x38;
	[tilespmem:$0x4400] =	vst v63  }
0x9d: {  	s24 =	sadd.s32 $0x100, s10;
	s25 =	simm.s32 $0xF00  }
0x9e: {  	[hbm4b:s24+s2] =	stream.linear.scatter [tilespmem:s25], [sflag:$0x1], $0x80, $0x38;
	[tilespmem:$0x4400] =	vst v63  }
0x9f: {  	s26 =	sadd.s32 $0x180, s10;
	s28 =	simm.s32 $0x1300  }
0xa0: {  	[hbm4b:s26+s2] =	stream.linear.scatter [tilespmem:s28], [sflag:$0x1], $0x80, $0x38;
	[tilespmem:$0x4400] =	vst v63  }
0xa1: {  	s22 =	sadd.s32 $0x200, s10;
	s23 =	simm.s32 $0x1700  }
0xa2: {  	[hbm4b:s22+s2] =	stream.linear.scatter [tilespmem:s23], [sflag:$0x1], $0x80, $0x38;
	[tilespmem:$0x4400] =	vst v63  }
0xa3: {  	s24 =	sadd.s32 $0x280, s10;
	s25 =	simm.s32 $0x1B00  }
0xa4: {  	[hbm4b:s24+s2] =	stream.linear.scatter [tilespmem:s25], [sflag:$0x1], $0x80, $0x38;
	[tilespmem:$0x4400] =	vst v63  }
0xa5: {  	s26 =	sadd.s32 $0x300, s10;
	s28 =	simm.s32 $0x1F00  }
0xa6: {  	[hbm4b:s26+s2] =	stream.linear.scatter [tilespmem:s28], [sflag:$0x1], $0x80, $0x38;
	[tilespmem:$0x4400] =	vst v63  }
0xa7: {  	s1 =	sadd.s32 $0x380, s10;
	s22 =	simm.s32 $0x2300  }
0xa8: {  	[hbm4b:s1+s2] =	stream.linear.scatter [tilespmem:s22], [sflag:$0x1], $0x80, $0x38;
	[tilespmem:$0x4400] =	vst v63  }
0xa9: {  	s23 =	simm.s32 $0x780  }
0xaa: {  	[hbm4b:s11+s2] =	stream.linear.scatter [tilespmem:s23], [sflag:$0x1], $0x80, $0x38;
	[tilespmem:$0x4400] =	vst v63  }
0xab: {  	s24 =	sadd.s32 $0x80, s11;
	s25 =	simm.s32 $0xB80  }
0xac: {  	[hbm4b:s24+s2] =	stream.linear.scatter [tilespmem:s25], [sflag:$0x1], $0x80, $0x38;
	[tilespmem:$0x4400] =	vst v63  }
0xad: {  	s26 =	sadd.s32 $0x100, s11;
	s28 =	simm.s32 $0xF80  }
0xae: {  	[hbm4b:s26+s2] =	stream.linear.scatter [tilespmem:s28], [sflag:$0x1], $0x80, $0x38;
	[tilespmem:$0x4400] =	vst v63  }
0xaf: {  	s22 =	sadd.s32 $0x180, s11;
	s23 =	simm.s32 $0x1380  }
0xb0: {  	[hbm4b:s22+s2] =	stream.linear.scatter [tilespmem:s23], [sflag:$0x1], $0x80, $0x38;
	[tilespmem:$0x4400] =	vst v63  }
0xb1: {  	s24 =	sadd.s32 $0x200, s11;
	s25 =	simm.s32 $0x1780  }
0xb2: {  	[hbm4b:s24+s2] =	stream.linear.scatter [tilespmem:s25], [sflag:$0x1], $0x80, $0x38;
	[tilespmem:$0x4400] =	vst v63  }
0xb3: {  	s26 =	sadd.s32 $0x280, s11;
	s28 =	simm.s32 $0x1B80  }
0xb4: {  	[hbm4b:s26+s2] =	stream.linear.scatter [tilespmem:s28], [sflag:$0x1], $0x80, $0x38;
	[tilespmem:$0x4400] =	vst v63  }
0xb5: {  	s1 =	sadd.s32 $0x300, s11;
	s22 =	simm.s32 $0x1F80  }
0xb6: {  	[hbm4b:s1+s2] =	stream.linear.scatter [tilespmem:s22], [sflag:$0x1], $0x80, $0x38;
	[tilespmem:$0x4400] =	vst v63  }
0xb7: {  	s23 =	sadd.s32 $0x380, s11;
	s24 =	simm.s32 $0x2380  }
0xb8: {  	[hbm4b:s23+s2] =	stream.linear.scatter [tilespmem:s24], [sflag:$0x1], $0x80, $0x38;
	[tilespmem:$0x4400] =	vst v63  }
0xb9: {  	s25 =	simm.s32 $0x2400  }
0xba: {  	[hbm4b:s12+s2] =	stream.linear.scatter [tilespmem:s25], [sflag:$0x1], $0x80, $0x38;
	[tilespmem:$0x4400] =	vst v63  }
0xbb: {  	s26 =	sadd.s32 $0x80, s12;
	s28 =	simm.s32 $0x2800  }
0xbc: {  	[hbm4b:s26+s2] =	stream.linear.scatter [tilespmem:s28], [sflag:$0x1], $0x80, $0x38;
	[tilespmem:$0x4400] =	vst v63  }
0xbd: {  	s22 =	sadd.s32 $0x100, s12;
	s23 =	simm.s32 $0x2C00  }
0xbe: {  	[hbm4b:s22+s2] =	stream.linear.scatter [tilespmem:s23], [sflag:$0x1], $0x80, $0x38;
	[tilespmem:$0x4400] =	vst v63  }
0xbf: {  	s24 =	sadd.s32 $0x180, s12;
	s25 =	simm.s32 $0x3000  }
0xc0: {  	[hbm4b:s24+s2] =	stream.linear.scatter [tilespmem:s25], [sflag:$0x1], $0x80, $0x38;
	[tilespmem:$0x4400] =	vst v63  }
0xc1: {  	s26 =	sadd.s32 $0x200, s12;
	s28 =	simm.s32 $0x3400  }
0xc2: {  	[hbm4b:s26+s2] =	stream.linear.scatter [tilespmem:s28], [sflag:$0x1], $0x80, $0x38;
	[tilespmem:$0x4400] =	vst v63  }
0xc3: {  	s22 =	sadd.s32 $0x280, s12;
	s23 =	simm.s32 $0x3800  }
0xc4: {  	[hbm4b:s22+s2] =	stream.linear.scatter [tilespmem:s23], [sflag:$0x1], $0x80, $0x38;
	[tilespmem:$0x4400] =	vst v63  }
0xc5: {  	s24 =	sadd.s32 $0x300, s12;
	s25 =	simm.s32 $0x3C00  }
0xc6: {  	[hbm4b:s24+s2] =	stream.linear.scatter [tilespmem:s25], [sflag:$0x1], $0x80, $0x38;
	[tilespmem:$0x4400] =	vst v63  }
0xc7: {  	s26 =	sadd.s32 $0x380, s12;
	s28 =	simm.s32 $0x4000  }
0xc8: {  	[hbm4b:s26+s2] =	stream.linear.scatter [tilespmem:s28], [sflag:$0x1], $0x80, $0x38;
	[tilespmem:$0x4400] =	vst v63  }
0xc9: {  	s1 =	simm.s32 $0x2480  }
0xca: {  	[hbm4b:s13+s2] =	stream.linear.scatter [tilespmem:s1], [sflag:$0x1], $0x80, $0x38;
	[tilespmem:$0x4400] =	vst v63  }
0xcb: {  	s22 =	sadd.s32 $0x80, s13;
	s23 =	simm.s32 $0x2880  }
0xcc: {  	[hbm4b:s22+s2] =	stream.linear.scatter [tilespmem:s23], [sflag:$0x1], $0x80, $0x38;
	[tilespmem:$0x4400] =	vst v63  }
0xcd: {  	s24 =	sadd.s32 $0x100, s13;
	s25 =	simm.s32 $0x2C80  }
0xce: {  	[hbm4b:s24+s2] =	stream.linear.scatter [tilespmem:s25], [sflag:$0x1], $0x80, $0x38;
	[tilespmem:$0x4400] =	vst v63  }
0xcf: {  	s26 =	sadd.s32 $0x180, s13;
	s28 =	simm.s32 $0x3080  }
0xd0: {  	[hbm4b:s26+s2] =	stream.linear.scatter [tilespmem:s28], [sflag:$0x1], $0x80, $0x38;
	[tilespmem:$0x4400] =	vst v63  }
0xd1: {  	s22 =	sadd.s32 $0x200, s13;
	s23 =	simm.s32 $0x3480  }
0xd2: {  	[hbm4b:s22+s2] =	stream.linear.scatter [tilespmem:s23], [sflag:$0x1], $0x80, $0x38;
	[tilespmem:$0x4400] =	vst v63  }
0xd3: {  	s24 =	sadd.s32 $0x280, s13;
	s25 =	simm.s32 $0x3880  }
0xd4: {  	[hbm4b:s24+s2] =	stream.linear.scatter [tilespmem:s25], [sflag:$0x1], $0x80, $0x38;
	[tilespmem:$0x4400] =	vst v63  }
0xd5: {  	s26 =	sadd.s32 $0x300, s13;
	s28 =	simm.s32 $0x3C80  }
0xd6: {  	[hbm4b:s26+s2] =	stream.linear.scatter [tilespmem:s28], [sflag:$0x1], $0x80, $0x38;
	[tilespmem:$0x4400] =	vst v63  }
0xd7: {  	s1 =	sadd.s32 $0x380, s13;
	s22 =	simm.s32 $0x4080  }
0xd8: {  	[hbm4b:s1+s2] =	stream.linear.scatter [tilespmem:s22], [sflag:$0x1], $0x80, $0x38;
	[tilespmem:$0x4400] =	vst v63  }
0xd9: {  	s23 =	simm.s32 $0x2500  }
0xda: {  	[hbm4b:s14+s2] =	stream.linear.scatter [tilespmem:s23], [sflag:$0x1], $0x80, $0x38;
	[tilespmem:$0x4400] =	vst v63  }
0xdb: {  	s24 =	sadd.s32 $0x80, s14;
	s25 =	simm.s32 $0x2900  }
0xdc: {  	[hbm4b:s24+s2] =	stream.linear.scatter [tilespmem:s25], [sflag:$0x1], $0x80, $0x38;
	[tilespmem:$0x4400] =	vst v63  }
0xdd: {  	s26 =	sadd.s32 $0x100, s14;
	s28 =	simm.s32 $0x2D00  }
0xde: {  	[hbm4b:s26+s2] =	stream.linear.scatter [tilespmem:s28], [sflag:$0x1], $0x80, $0x38;
	[tilespmem:$0x4400] =	vst v63  }
0xdf: {  	s22 =	sadd.s32 $0x180, s14;
	s23 =	simm.s32 $0x3100  }
0xe0: {  	[hbm4b:s22+s2] =	stream.linear.scatter [tilespmem:s23], [sflag:$0x1], $0x80, $0x38;
	[tilespmem:$0x4400] =	vst v63  }
0xe1: {  	s24 =	sadd.s32 $0x200, s14;
	s25 =	simm.s32 $0x3500  }
0xe2: {  	[hbm4b:s24+s2] =	stream.linear.scatter [tilespmem:s25], [sflag:$0x1], $0x80, $0x38;
	[tilespmem:$0x4400] =	vst v63  }
0xe3: {  	s26 =	sadd.s32 $0x280, s14;
	s28 =	simm.s32 $0x3900  }
0xe4: {  	[hbm4b:s26+s2] =	stream.linear.scatter [tilespmem:s28], [sflag:$0x1], $0x80, $0x38;
	[tilespmem:$0x4400] =	vst v63  }
0xe5: {  	s1 =	sadd.s32 $0x300, s14;
	s22 =	simm.s32 $0x3D00  }
0xe6: {  	[hbm4b:s1+s2] =	stream.linear.scatter [tilespmem:s22], [sflag:$0x1], $0x80, $0x38;
	[tilespmem:$0x4400] =	vst v63  }
0xe7: {  	s23 =	sadd.s32 $0x380, s14;
	s24 =	simm.s32 $0x4100  }
0xe8: {  	[hbm4b:s23+s2] =	stream.linear.scatter [tilespmem:s24], [sflag:$0x1], $0x80, $0x38;
	[tilespmem:$0x4400] =	vst v63  }
0xe9: {  	s25 =	simm.s32 $0x2580  }
0xea: {  	[hbm4b:s15+s2] =	stream.linear.scatter [tilespmem:s25], [sflag:$0x1], $0x80, $0x38;
	[tilespmem:$0x4400] =	vst v63  }
0xeb: {  	s26 =	sadd.s32 $0x80, s15;
	s28 =	simm.s32 $0x2980  }
0xec: {  	[hbm4b:s26+s2] =	stream.linear.scatter [tilespmem:s28], [sflag:$0x1], $0x80, $0x38;
	[tilespmem:$0x4400] =	vst v63  }
0xed: {  	s22 =	sadd.s32 $0x100, s15;
	s23 =	simm.s32 $0x2D80  }
0xee: {  	[hbm4b:s22+s2] =	stream.linear.scatter [tilespmem:s23], [sflag:$0x1], $0x80, $0x38;
	[tilespmem:$0x4400] =	vst v63  }
0xef: {  	s24 =	sadd.s32 $0x180, s15;
	s25 =	simm.s32 $0x3180  }
0xf0: {  	[hbm4b:s24+s2] =	stream.linear.scatter [tilespmem:s25], [sflag:$0x1], $0x80, $0x38;
	[tilespmem:$0x4400] =	vst v63  }
0xf1: {  	s26 =	sadd.s32 $0x200, s15;
	s28 =	simm.s32 $0x3580  }
0xf2: {  	[hbm4b:s26+s2] =	stream.linear.scatter [tilespmem:s28], [sflag:$0x1], $0x80, $0x38;
	[tilespmem:$0x4400] =	vst v63  }
0xf3: {  	s22 =	sadd.s32 $0x280, s15;
	s23 =	simm.s32 $0x3980  }
0xf4: {  	[hbm4b:s22+s2] =	stream.linear.scatter [tilespmem:s23], [sflag:$0x1], $0x80, $0x38;
	[tilespmem:$0x4400] =	vst v63  }
0xf5: {  	s24 =	sadd.s32 $0x300, s15;
	s25 =	simm.s32 $0x3D80  }
0xf6: {  	[hbm4b:s24+s2] =	stream.linear.scatter [tilespmem:s25], [sflag:$0x1], $0x80, $0x38;
	[tilespmem:$0x4400] =	vst v63  }
0xf7: {  	s26 =	sadd.s32 $0x380, s15;
	s28 =	simm.s32 $0x4180  }
0xf8: {  	[hbm4b:s26+s2] =	stream.linear.scatter [tilespmem:s28], [sflag:$0x1], $0x80, $0x38;
	[tilespmem:$0x4400] =	vst v63  }
0xf9: {  	s1 =	simm.s32 $0x2600  }
0xfa: {  	[hbm4b:s16+s2] =	stream.linear.scatter [tilespmem:s1], [sflag:$0x1], $0x80, $0x38;
	[tilespmem:$0x4400] =	vst v63  }
0xfb: {  	s22 =	sadd.s32 $0x80, s16;
	s23 =	simm.s32 $0x2A00  }
0xfc: {  	[hbm4b:s22+s2] =	stream.linear.scatter [tilespmem:s23], [sflag:$0x1], $0x80, $0x38;
	[tilespmem:$0x4400] =	vst v63  }
0xfd: {  	s24 =	sadd.s32 $0x100, s16;
	s25 =	simm.s32 $0x2E00  }
0xfe: {  	[hbm4b:s24+s2] =	stream.linear.scatter [tilespmem:s25], [sflag:$0x1], $0x80, $0x38;
	[tilespmem:$0x4400] =	vst v63  }
0xff: {  	s26 =	sadd.s32 $0x180, s16;
	s28 =	simm.s32 $0x3200  }
0x100: {  	[hbm4b:s26+s2] =	stream.linear.scatter [tilespmem:s28], [sflag:$0x1], $0x80, $0x38;
	[tilespmem:$0x4400] =	vst v63  }
0x101: {  	s22 =	sadd.s32 $0x200, s16;
	s23 =	simm.s32 $0x3600  }
0x102: {  	[hbm4b:s22+s2] =	stream.linear.scatter [tilespmem:s23], [sflag:$0x1], $0x80, $0x38;
	[tilespmem:$0x4400] =	vst v63  }
0x103: {  	s24 =	sadd.s32 $0x280, s16;
	s25 =	simm.s32 $0x3A00  }
0x104: {  	[hbm4b:s24+s2] =	stream.linear.scatter [tilespmem:s25], [sflag:$0x1], $0x80, $0x38;
	[tilespmem:$0x4400] =	vst v63  }
0x105: {  	s26 =	sadd.s32 $0x300, s16;
	s28 =	simm.s32 $0x3E00  }
0x106: {  	[hbm4b:s26+s2] =	stream.linear.scatter [tilespmem:s28], [sflag:$0x1], $0x80, $0x38;
	[tilespmem:$0x4400] =	vst v63  }
0x107: {  	s1 =	sadd.s32 $0x380, s16;
	s22 =	simm.s32 $0x4200  }
0x108: {  	[hbm4b:s1+s2] =	stream.linear.scatter [tilespmem:s22], [sflag:$0x1], $0x80, $0x38;
	[tilespmem:$0x4400] =	vst v63  }
0x109: {  	s23 =	simm.s32 $0x2680  }
0x10a: {  	[hbm4b:s17+s2] =	stream.linear.scatter [tilespmem:s23], [sflag:$0x1], $0x80, $0x38;
	[tilespmem:$0x4400] =	vst v63  }
0x10b: {  	s24 =	sadd.s32 $0x80, s17;
	s25 =	simm.s32 $0x2A80  }
0x10c: {  	[hbm4b:s24+s2] =	stream.linear.scatter [tilespmem:s25], [sflag:$0x1], $0x80, $0x38;
	[tilespmem:$0x4400] =	vst v63  }
0x10d: {  	s26 =	sadd.s32 $0x100, s17;
	s28 =	simm.s32 $0x2E80  }
0x10e: {  	[hbm4b:s26+s2] =	stream.linear.scatter [tilespmem:s28], [sflag:$0x1], $0x80, $0x38;
	[tilespmem:$0x4400] =	vst v63  }
0x10f: {  	s22 =	sadd.s32 $0x180, s17;
	s23 =	simm.s32 $0x3280  }
0x110: {  	[hbm4b:s22+s2] =	stream.linear.scatter [tilespmem:s23], [sflag:$0x1], $0x80, $0x38;
	[tilespmem:$0x4400] =	vst v63  }
0x111: {  	s24 =	sadd.s32 $0x200, s17;
	s25 =	simm.s32 $0x3680  }
0x112: {  	[hbm4b:s24+s2] =	stream.linear.scatter [tilespmem:s25], [sflag:$0x1], $0x80, $0x38;
	[tilespmem:$0x4400] =	vst v63  }
0x113: {  	s26 =	sadd.s32 $0x280, s17;
	s28 =	simm.s32 $0x3A80  }
0x114: {  	[hbm4b:s26+s2] =	stream.linear.scatter [tilespmem:s28], [sflag:$0x1], $0x80, $0x38;
	[tilespmem:$0x4400] =	vst v63  }
0x115: {  	s1 =	sadd.s32 $0x300, s17;
	s22 =	simm.s32 $0x3E80  }
0x116: {  	[hbm4b:s1+s2] =	stream.linear.scatter [tilespmem:s22], [sflag:$0x1], $0x80, $0x38;
	[tilespmem:$0x4400] =	vst v63  }
0x117: {  	s23 =	sadd.s32 $0x380, s17;
	s24 =	simm.s32 $0x4280  }
0x118: {  	[hbm4b:s23+s2] =	stream.linear.scatter [tilespmem:s24], [sflag:$0x1], $0x80, $0x38;
	[tilespmem:$0x4400] =	vst v63  }
0x119: {  	s25 =	simm.s32 $0x2700  }
0x11a: {  	[hbm4b:s18+s2] =	stream.linear.scatter [tilespmem:s25], [sflag:$0x1], $0x80, $0x38;
	[tilespmem:$0x4400] =	vst v63  }
0x11b: {  	s26 =	sadd.s32 $0x80, s18;
	s28 =	simm.s32 $0x2B00  }
0x11c: {  	[hbm4b:s26+s2] =	stream.linear.scatter [tilespmem:s28], [sflag:$0x1], $0x80, $0x38;
	[tilespmem:$0x4400] =	vst v63  }
0x11d: {  	s22 =	sadd.s32 $0x100, s18;
	s23 =	simm.s32 $0x2F00  }
0x11e: {  	[hbm4b:s22+s2] =	stream.linear.scatter [tilespmem:s23], [sflag:$0x1], $0x80, $0x38;
	[tilespmem:$0x4400] =	vst v63  }
0x11f: {  	s24 =	sadd.s32 $0x180, s18;
	s25 =	simm.s32 $0x3300  }
0x120: {  	[hbm4b:s24+s2] =	stream.linear.scatter [tilespmem:s25], [sflag:$0x1], $0x80, $0x38;
	[tilespmem:$0x4400] =	vst v63  }
0x121: {  	s26 =	sadd.s32 $0x200, s18;
	s28 =	simm.s32 $0x3700  }
0x122: {  	[hbm4b:s26+s2] =	stream.linear.scatter [tilespmem:s28], [sflag:$0x1], $0x80, $0x38;
	[tilespmem:$0x4400] =	vst v63  }
0x123: {  	s22 =	sadd.s32 $0x280, s18;
	s23 =	simm.s32 $0x3B00  }
0x124: {  	[hbm4b:s22+s2] =	stream.linear.scatter [tilespmem:s23], [sflag:$0x1], $0x80, $0x38;
	[tilespmem:$0x4400] =	vst v63  }
0x125: {  	s24 =	sadd.s32 $0x300, s18;
	s25 =	simm.s32 $0x3F00  }
0x126: {  	[hbm4b:s24+s2] =	stream.linear.scatter [tilespmem:s25], [sflag:$0x1], $0x80, $0x38;
	[tilespmem:$0x4400] =	vst v63  }
0x127: {  	s26 =	sadd.s32 $0x380, s18;
	s28 =	simm.s32 $0x4300  }
0x128: {  	[hbm4b:s26+s2] =	stream.linear.scatter [tilespmem:s28], [sflag:$0x1], $0x80, $0x38;
	[tilespmem:$0x4400] =	vst v63  }
0x129: {  	s1 =	simm.s32 $0x2780  }
0x12a: {  	[hbm4b:s19+s2] =	stream.linear.scatter [tilespmem:s1], [sflag:$0x1], $0x80, $0x38;
	[tilespmem:$0x4400] =	vst v63  }
0x12b: {  	s22 =	sadd.s32 $0x80, s19;
	s23 =	simm.s32 $0x2B80  }
0x12c: {  	[hbm4b:s22+s2] =	stream.linear.scatter [tilespmem:s23], [sflag:$0x1], $0x80, $0x38;
	[tilespmem:$0x4400] =	vst v63  }
0x12d: {  	s24 =	sadd.s32 $0x100, s19;
	s25 =	simm.s32 $0x2F80  }
0x12e: {  	[hbm4b:s24+s2] =	stream.linear.scatter [tilespmem:s25], [sflag:$0x1], $0x80, $0x38;
	[tilespmem:$0x4400] =	vst v63  }
0x12f: {  	s26 =	sadd.s32 $0x180, s19;
	s28 =	simm.s32 $0x3380  }
0x130: {  	[hbm4b:s26+s2] =	stream.linear.scatter [tilespmem:s28], [sflag:$0x1], $0x80, $0x38;
	[tilespmem:$0x4400] =	vst v63  }
0x131: {  	s1 =	sadd.s32 $0x200, s19;
	s22 =	simm.s32 $0x3780  }
0x132: {  	[hbm4b:s1+s2] =	stream.linear.scatter [tilespmem:s22], [sflag:$0x1], $0x80, $0x38;
	[tilespmem:$0x4400] =	vst v63  }
0x133: {  	s23 =	sadd.s32 $0x280, s19;
	s24 =	simm.s32 $0x3B80  }
0x134: {  	[hbm4b:s23+s2] =	stream.linear.scatter [tilespmem:s24], [sflag:$0x1], $0x80, $0x38;
	[tilespmem:$0x4400] =	vst v63  }
0x135: {  	s25 =	sadd.s32 $0x300, s19;
	s26 =	simm.s32 $0x3F80  }
0x136: {  	[hbm4b:s25+s2] =	stream.linear.scatter [tilespmem:s26], [sflag:$0x1], $0x80, $0x38;
	[tilespmem:$0x4400] =	vst v63  }
0x137: {  	s28 =	sadd.s32 $0x380, s19  }
0x138: {  	[hbm4b:s28+s2] =	stream.linear.scatter [tilespmem:s29], [sflag:$0x1], $0x80, $0x38;
	[tilespmem:$0x4400] =	vst v63  }
0x139: {  	_ =	swait.ge [sflag:s30], $0x400  }
0x13a: {  	[sflag:s30] =	ssyncset.done $0x0  }
0x13b: {  	[sflag:s30] =	ssyncadd.s32 $0xFFFFFC00  }
0x13c: {  	_ =	swait.ge [sflag:s30], $0x400  }
0x13d: {  	[sflag:s30] =	ssyncset.done $0x0  }
0x13e: {  	[sflag:s30] =	ssyncadd.s32 $0xFFFFFC00  }
0x13f: {  	_ =	swait.ge [sflag:s30], $0x400  }
0x140: {  	[sflag:s30] =	ssyncset.done $0x0  }
0x141: {  	[sflag:s30] =	ssyncadd.s32 $0xFFFFFC00  }
0x142: {  	_ =	swait.ge [sflag:s30], $0x400  }
0x143: {  	[sflag:s30] =	ssyncset.done $0x0  }
0x144: {  	[sflag:s30] =	ssyncadd.s32 $0xFFFFFC00  }
0x145: {  	_ =	swait.ge [sflag:s30], $0x400  }
0x146: {  	[sflag:s30] =	ssyncset.done $0x0  }
0x147: {  	[sflag:s30] =	ssyncadd.s32 $0xFFFFFC00  }
0x148: {  	_ =	swait.ge [sflag:s30], $0x400  }
0x149: {  	[sflag:s30] =	ssyncset.done $0x0  }
0x14a: {  	[sflag:s30] =	ssyncadd.s32 $0xFFFFFC00  }
0x14b: {  	_ =	swait.ge [sflag:s30], $0x400  }
0x14c: {  	[sflag:s30] =	ssyncset.done $0x0  }
0x14d: {  	[sflag:s30] =	ssyncadd.s32 $0xFFFFFC00  }
0x14e: {  	_ =	swait.ge [sflag:s30], $0x400  }
0x14f: {  	[sflag:s30] =	ssyncset.done $0x0  }
0x150: {  	[sflag:s30] =	ssyncadd.s32 $0xFFFFFC00  }
0x151: {  	_ =	swait.ge [sflag:s30], $0x400  }
0x152: {  	[sflag:s30] =	ssyncset.done $0x0  }
0x153: {  	[sflag:s30] =	ssyncadd.s32 $0xFFFFFC00  }
0x154: {  	_ =	swait.ge [sflag:s30], $0x400  }
0x155: {  	[sflag:s30] =	ssyncset.done $0x0  }
0x156: {  	[sflag:s30] =	ssyncadd.s32 $0xFFFFFC00  }
0x157: {  	_ =	swait.ge [sflag:s30], $0x400  }
0x158: {  	[sflag:s30] =	ssyncset.done $0x0  }
0x159: {  	[sflag:s30] =	ssyncadd.s32 $0xFFFFFC00  }
0x15a: {  	_ =	swait.ge [sflag:s30], $0x400  }
0x15b: {  	[sflag:s30] =	ssyncset.done $0x0  }
0x15c: {  	[sflag:s30] =	ssyncadd.s32 $0xFFFFFC00  }
0x15d: {  	_ =	swait.ge [sflag:s30], $0x400  }
0x15e: {  	[sflag:s30] =	ssyncset.done $0x0  }
0x15f: {  	[sflag:s30] =	ssyncadd.s32 $0xFFFFFC00  }
0x160: {  	_ =	swait.ge [sflag:s30], $0x400  }
0x161: {  	[sflag:s30] =	ssyncset.done $0x0  }
0x162: {  	s31 =	sadd.s32 $0x1, s31;
	[sflag:s30] =	ssyncadd.s32 $0xFFFFFC00  }
0x163: {  	p0 =	sne.s32 s31, s20;
	_ =	swait.ge [sflag:s30], $0x400  }
.Ltmp1:
0x164: {  	[sflag:s30] =	ssyncset.done $0x0;
	(pc) =	sbr.rel @p0 .LBB2_1-.Ltmp1, $4  }
0x165: {  	[sflag:s30] =	ssyncadd.s32 $0xFFFFFC00  }
0x166: {  	_ =	swait.ge [sflag:s30], $0x400  }
0x167: {  	[sflag:s30] =	ssyncset.done $0x0  }
0x168: {  	[sflag:s30] =	ssyncadd.s32 $0xFFFFFC00  }
0x169: {  	_ =	sfence.sel $0x180000  }
0x16a: {  	[bflag:$0x0] =	sbarrier.arrive $0xFFFF  }
0x16b: {  	_ =	strace $0x90000047  }
0x16c: {  	s0 =	stileid.u32;
	[bflag:$0x2] =	sbarrier.arrive $0xFFFF  }
0x16d: {  	p0 =	sne.s32 s0, $0x0;
	s0 =	rddreg [dreg:$0x2]  }
0x16e: {  	s0 =	sadd.s32 @!p0 $0x100000, s0  }
0x16f: {  	[sflag:s0] =	ssyncadd.tile.s32 @!p0 $0x1;
	_ =	shalt  }
.Lfunc_end2:
_tile_overlayer_lowered:
.L_overlay_start_2:
0x170: {  	(tag) =	ssettag $0x2  }
0x171: {  	s0 =	rddreg [dreg:$0x0];
	s2 =	stileid.u32  }
0x172: {  	s1 =	rddreg [dreg:$0x1];
	p0 =	sne.s32 s2, $0x0  }
0x173: {  	s3 =	rddreg [dreg:$0x2];
	[bflag:$0x3] =	sbarrier.arrive $0xFFFF;
	s2 =	simm.s32 @!p0 $0x1C02  }
0x174: {  	[timem:s3], [sflag:s2] =	dma.local @!p0 [hbm:s0], s1  }
0x175: {  	s0 =	simm.s32 @!p0 $0x2  }
0x176: {  	_ =	swait.ge @!p0 [sflag:s0], s1  }
0x177: {  	s1 =	ssub.s32 @!p0 $0x0, s1;
	[sflag:s0] =	ssyncset.done @!p0 $0x0  }
0x178: {  	[sflag:s0] =	ssyncadd.s32 @!p0 s1  }
0x179: {  	[bflag:$0x3] =	sbarrier.arrive $0xFFFF  }
0x17a: {  	_ =	shalt  }

</sc_bundles>
